<compile_context>
chip_gen: v7x
topology: tpu7x:2x2x1
jax: 0.10.2.dev20260603
libtpu: 0.0.44.dev20260713+nightly
codegen_flags: <defaults>
</compile_context>

<pallas_src>
import functools

import jax
import jax.numpy as jnp
from jax import lax
from jax.experimental import pallas as pl
from jax.experimental.pallas import tpu as pltpu
from jax.experimental.pallas import tpu_sc as plsc

BM = 2048
BE = 1024


def _argmin_body(kk, x_ref, rn_ref, cn_ref, e_ref, idx_ref):
    rn = rn_ref[...]
    wv = [None, None, None]
    wi = [None, None, None]
    edges = (0, 2816, 5632, kk)
    iota_f = lax.broadcasted_iota(jnp.int32, (1, edges[1]), 1).astype(jnp.float32)
    for w in range(3):
        lo, hi = edges[w], edges[w + 1]
        width = hi - lo
        dot = jnp.dot(x_ref[...], e_ref[:, lo:hi],
                      preferred_element_type=jnp.float32)
        d = (rn + dot) + cn_ref[:, lo:hi]
        dm = jnp.min(d, axis=1, keepdims=True)
        cand = jnp.where(d == dm, iota_f[:, :width], jnp.float32(3e38))
        imf = jnp.min(cand, axis=1, keepdims=True)
        wv[w] = dm
        wi[w] = imf.astype(jnp.int32) + lo
    a0 = wv[0].astype(jnp.bfloat16).astype(jnp.float32)
    upd1 = wv[1] < a0
    a1 = jnp.where(upd1, wv[1], a0).astype(jnp.bfloat16).astype(jnp.float32)
    i01 = jnp.where(upd1, wi[1], wi[0])
    upd2 = wv[2] < a1
    idx_ref[...] = jnp.where(upd2, wi[2], i01)


def _argmin_call(flatten, rownorm, colnorm, embed):
    n, dim = flatten.shape
    kk = embed.shape[1]
    nm = n // BM
    return pl.pallas_call(
        functools.partial(_argmin_body, kk),
        grid=(nm,),
        in_specs=[
            pl.BlockSpec((BM, dim), lambda m: (m, 0)),
            pl.BlockSpec((BM, 1), lambda m: (m, 0)),
            pl.BlockSpec((1, kk), lambda m: (0, 0)),
            pl.BlockSpec((dim, kk), lambda m: (0, 0)),
        ],
        out_specs=pl.BlockSpec((BM, 1), lambda m: (m, 0)),
        out_shape=jax.ShapeDtypeStruct((n, 1), jnp.int32),
    )(flatten, rownorm, colnorm, embed)


def _make_sc_gather(v, d, b):
    info = plsc.get_sparse_core_info()
    nc, ns = info.num_cores, info.num_subcores
    nw = nc * ns
    b_per_w = b // nw
    ch = 128
    nch = b_per_w // ch
    mesh = plsc.VectorSubcoreMesh(core_axis_name="c", subcore_axis_name="s")

    @functools.partial(
        pl.kernel,
        mesh=mesh,
        out_type=jax.ShapeDtypeStruct((b, d), jnp.float32),
        scratch_types=[
            pltpu.VMEM((b_per_w,), jnp.int32),
            pltpu.VMEM((ch, d), jnp.float32),
            pltpu.VMEM((ch, d), jnp.float32),
            pltpu.SemaphoreType.DMA,
            pltpu.SemaphoreType.DMA,
        ],
    )
    def gather_kernel(idx_hbm, table_hbm, out_hbm, idx_v, buf0, buf1, sem0, sem1):
        wid = lax.axis_index("s") * nc + lax.axis_index("c")
        base = wid * b_per_w
        pltpu.sync_copy(idx_hbm.at[pl.ds(base, b_per_w)], idx_v)
        bufs = (buf0, buf1)
        sems = (sem0, sem1)
        copies = [None, None]
        copies[0] = pltpu.async_copy(
            table_hbm.at[idx_v.at[pl.ds(0, ch)]], bufs[0], sems[0])
        for c in range(nch):
            cur = c % 2
            copies[cur].wait()
            if c + 1 < nch:
                nxt = (c + 1) % 2
                copies[nxt] = pltpu.async_copy(
                    table_hbm.at[idx_v.at[pl.ds((c + 1) * ch, ch)]],
                    bufs[nxt], sems[nxt])
            pltpu.sync_copy(bufs[cur], out_hbm.at[pl.ds(base + c * ch, ch)])

    return gather_kernel


def _epilogue_body(nm, inv_n, x_ref, q_ref, out_ref, diff_ref, acc_ref):
    m = pl.program_id(0)
    r = q_ref[...] - x_ref[...]
    out_ref[...] = x_ref[...] + r

    @pl.when(m == 0)
    def _():
        acc_ref[0, 0] = 0.0

    acc_ref[0, 0] += jnp.sum(r * r)

    @pl.when(m == nm - 1)
    def _():
        diff_ref[...] = jnp.full((1, 1), acc_ref[0, 0] * inv_n, jnp.float32)


def _epilogue_call(flatten, quant):
    n, dim = flatten.shape
    nm = n // BE
    return pl.pallas_call(
        functools.partial(_epilogue_body, nm, 1.0 / (n * dim)),
        grid=(nm,),
        in_specs=[
            pl.BlockSpec((BE, dim), lambda m: (m, 0)),
            pl.BlockSpec((BE, dim), lambda m: (m, 0)),
        ],
        out_specs=[
            pl.BlockSpec((BE, dim), lambda m: (m, 0)),
            pl.BlockSpec((1, 1), lambda m: (0, 0)),
        ],
        out_shape=[
            jax.ShapeDtypeStruct((n, dim), jnp.float32),
            jax.ShapeDtypeStruct((1, 1), jnp.float32),
        ],
        scratch_shapes=[pltpu.SMEM((1, 1), jnp.float32)],
    )(flatten, quant)


def kernel(x, embed):
    dim, kk = embed.shape
    flatten = x.reshape(-1, dim)
    n = flatten.shape[0]
    rownorm = jnp.sum(flatten ** 2, axis=1, keepdims=True)
    colnorm = jnp.sum(embed ** 2, axis=0, keepdims=True)

    idx2d = _argmin_call((flatten * -2.0).astype(jnp.bfloat16), rownorm,
                         colnorm, embed.astype(jnp.bfloat16))
    idx = idx2d[:, 0]

    table = embed.T
    quant = _make_sc_gather(kk, dim, n)(idx, table)

    qout, diff2d = _epilogue_call(flatten, quant)

    quantize = qout.reshape(x.shape)
    diff = diff2d[0, 0]
    embed_ind = idx.reshape(x.shape[:-1])
    return (quantize, diff, embed_ind)

# --- scband reference (transcript-rebuilt; emitter-appended) ---
"""Pipeline reference for scband-cog-view-emaquantizer-4724464026121 (READ-ONLY COPY).

The authoritative reference and input builder live on the scoring server;
editing this copy changes nothing except your own understanding.
"""

import jax, jax.numpy as jnp
import numpy as np

DIM = 256
N_EMBED = 8192

def setup_inputs(seed: int = 0) -> dict:
    key = jax.random.key(seed)
    k1, k2 = jax.random.split(key)
    x = jax.random.normal(k1, (16, 1024, DIM), dtype=jnp.float32)
    # xavier_uniform_ with tanh gain on embed of shape (dim, n_embed)
    gain = 5.0 / 3.0
    bound = gain * float(np.sqrt(6.0 / (DIM + N_EMBED)))
    embed = jax.random.uniform(k2, (DIM, N_EMBED), minval=-bound, maxval=bound, dtype=jnp.float32)
    return {"x": x, "embed": embed}

def reference(x, embed):
    # continuous_relax=False, hard=False, add_l2_norm=False path
    dim = embed.shape[0]
    flatten = x.reshape(-1, dim)
    d = (jnp.sum(flatten ** 2, axis=1, keepdims=True)
         - 2.0 * (flatten @ embed)
         + jnp.sum(embed ** 2, axis=0, keepdims=True))
    embed_ind_flat = jnp.argmax(-d, axis=1)
    quantize_flat = jnp.take(embed.T, embed_ind_flat, axis=0)
    quantize = quantize_flat.reshape(x.shape)
    embed_ind = embed_ind_flat.reshape(x.shape[:-1])
    diff = jnp.mean((jax.lax.stop_gradient(quantize) - x) ** 2)
    quantize = x + jax.lax.stop_gradient(quantize - x)
    return (quantize, diff, embed_ind)

if __name__ == "__main__":
    import jax
    _d = setup_inputs()
    print(jax.jit(kernel)(*tuple(_d.values())))

</pallas_src>

<mosaic_0001>
#map = affine_map<(d0, d1) -> (0)>
#map1 = affine_map<(d0, d1) -> (0, 0)>
module attributes {stable_mosaic.version = 14 : i64} {
  func.func @gather_kernel(%arg0: i32, %arg1: i32, %arg2: memref<16384xi32, #tpu.memory_space<hbm>>, %arg3: memref<8192x256xf32, #tpu.memory_space<hbm>>, %arg4: memref<16384x256xf32, #tpu.memory_space<hbm>>, %arg5: memref<512xi32, #tpu.memory_space<vmem>>, %arg6: memref<128x256xf32, #tpu.memory_space<vmem>>, %arg7: memref<128x256xf32, #tpu.memory_space<vmem>>, %arg8: memref<!tpu.dma_semaphore, #tpu.memory_space<semaphore_mem>>, %arg9: memref<!tpu.dma_semaphore, #tpu.memory_space<semaphore_mem>>) attributes {dimension_semantics = [#tpu.dimension_semantics<core_parallel>, #tpu.dimension_semantics<subcore_parallel>], iteration_bounds = array<i64: 2, 16>, scalar_prefetch = 0 : i64, scratch_operands = 5 : i64, tpu.core_type = #tpu.core_type<sc_vector_subcore>, window_params = [{transform_indices = #map}, {transform_indices = #map1}, {transform_indices = #map1}]} {
    %mul3A = arith.constant 2 : i32
    %mul3A_0 = arith.muli %arg1, %mul3A : i32
    %add3A = arith.addi %mul3A_0, %arg0 : i32
    %mul3A_1 = arith.constant 512 : i32
    %mul3A_2 = arith.muli %add3A, %mul3A_1 : i32
    "tpu.region"() ({
      %run_scoped3A = tpu.sem_alloc : memref<!tpu.dma_semaphore, #tpu.memory_space<semaphore_mem>>
      %dma_start3A_49 = tpu.memref_slice %arg2[%mul3A_2] : memref<16384xi32, #tpu.memory_space<hbm>> -> memref<512xi32, #tpu.memory_space<hbm>>
      %dma_start3A_50 = tpu.memref_slice %arg2[%mul3A_2] : memref<16384xi32, #tpu.memory_space<hbm>> -> memref<512xi32, #tpu.memory_space<hbm>>
      tpu.enqueue_dma source(%dma_start3A_50 : memref<512xi32, #tpu.memory_space<hbm>>) target(%arg5 : memref<512xi32, #tpu.memory_space<vmem>>) target_semaphore(%run_scoped3A : memref<!tpu.dma_semaphore, #tpu.memory_space<semaphore_mem>>)
      %dma_wait3A_51 = tpu.memref_slice %arg2[%mul3A_2] : memref<16384xi32, #tpu.memory_space<hbm>> -> memref<512xi32, #tpu.memory_space<hbm>>
      %dma_wait3A_52 = tpu.memref_slice %arg2[%mul3A_2] : memref<16384xi32, #tpu.memory_space<hbm>> -> memref<512xi32, #tpu.memory_space<hbm>>
      tpu.wait_dma2 semaphore(%run_scoped3A : memref<!tpu.dma_semaphore, #tpu.memory_space<semaphore_mem>>) src(%dma_wait3A_52 : memref<512xi32, #tpu.memory_space<hbm>>) dst(%arg5 : memref<512xi32, #tpu.memory_space<vmem>>)
      tpu.yield
    }) : () -> ()
    %dma_start3A = arith.constant 0 : i32
    %dma_start3A_3 = tpu.memref_slice %arg5[%dma_start3A] : memref<512xi32, #tpu.memory_space<vmem>> -> memref<128xi32, #tpu.memory_space<vmem>>
    %dma_start3A_4 = arith.constant 0 : i32
    %dma_start3A_5 = arith.constant 0 : i32
    %dma_start3A_6 = tpu.memref_slice %arg3[%dma_start3A_4, %dma_start3A_5] : memref<8192x256xf32, #tpu.memory_space<hbm>> -> memref<8192x256xf32, #tpu.memory_space<hbm>>
    tpu.enqueue_indirect_dma source(%dma_start3A_6 : memref<8192x256xf32, #tpu.memory_space<hbm>>) target(%arg6 : memref<128x256xf32, #tpu.memory_space<vmem>>) offsets(%dma_start3A_3 : memref<128xi32, #tpu.memory_space<vmem>>) semaphore(%arg8 : memref<!tpu.dma_semaphore, #tpu.memory_space<semaphore_mem>>)
    %dma_wait3A = arith.constant 0 : i32
    %dma_wait3A_7 = tpu.memref_slice %arg5[%dma_wait3A] : memref<512xi32, #tpu.memory_space<vmem>> -> memref<128xi32, #tpu.memory_space<vmem>>
    %dma_wait3A_8 = arith.constant 0 : i32
    %dma_wait3A_9 = arith.constant 0 : i32
    %dma_wait3A_10 = tpu.memref_slice %arg3[%dma_wait3A_8, %dma_wait3A_9] : memref<8192x256xf32, #tpu.memory_space<hbm>> -> memref<8192x256xf32, #tpu.memory_space<hbm>>
    tpu.wait_indirect_dma semaphore(%arg8 : memref<!tpu.dma_semaphore, #tpu.memory_space<semaphore_mem>>) src(%dma_wait3A_10 : memref<8192x256xf32, #tpu.memory_space<hbm>>) dst(%arg6 : memref<128x256xf32, #tpu.memory_space<vmem>>)
    %dma_start3A_11 = arith.constant 128 : i32
    %dma_start3A_12 = tpu.memref_slice %arg5[%dma_start3A_11] : memref<512xi32, #tpu.memory_space<vmem>> -> memref<128xi32, #tpu.memory_space<vmem>>
    %dma_start3A_13 = arith.constant 0 : i32
    %dma_start3A_14 = arith.constant 0 : i32
    %dma_start3A_15 = tpu.memref_slice %arg3[%dma_start3A_13, %dma_start3A_14] : memref<8192x256xf32, #tpu.memory_space<hbm>> -> memref<8192x256xf32, #tpu.memory_space<hbm>>
    tpu.enqueue_indirect_dma source(%dma_start3A_15 : memref<8192x256xf32, #tpu.memory_space<hbm>>) target(%arg7 : memref<128x256xf32, #tpu.memory_space<vmem>>) offsets(%dma_start3A_12 : memref<128xi32, #tpu.memory_space<vmem>>) semaphore(%arg9 : memref<!tpu.dma_semaphore, #tpu.memory_space<semaphore_mem>>)
    %add3A_16 = arith.constant 0 : i32
    %add3A_17 = arith.addi %mul3A_2, %add3A_16 : i32
    "tpu.region"() ({
      %run_scoped3A = tpu.sem_alloc : memref<!tpu.dma_semaphore, #tpu.memory_space<semaphore_mem>>
      %dma_start3A_49 = arith.constant 0 : i32
      %dma_start3A_50 = tpu.memref_slice %arg4[%add3A_17, %dma_start3A_49] : memref<16384x256xf32, #tpu.memory_space<hbm>> -> memref<128x256xf32, #tpu.memory_space<hbm>>
      %dma_start3A_51 = arith.constant 0 : i32
      %dma_start3A_52 = tpu.memref_slice %arg4[%add3A_17, %dma_start3A_51] : memref<16384x256xf32, #tpu.memory_space<hbm>> -> memref<128x256xf32, #tpu.memory_space<hbm>>
      tpu.enqueue_dma source(%arg6 : memref<128x256xf32, #tpu.memory_space<vmem>>) target(%dma_start3A_52 : memref<128x256xf32, #tpu.memory_space<hbm>>) target_semaphore(%run_scoped3A : memref<!tpu.dma_semaphore, #tpu.memory_space<semaphore_mem>>)
      %dma_wait3A_53 = arith.constant 0 : i32
      %dma_wait3A_54 = tpu.memref_slice %arg4[%add3A_17, %dma_wait3A_53] : memref<16384x256xf32, #tpu.memory_space<hbm>> -> memref<128x256xf32, #tpu.memory_space<hbm>>
      %dma_wait3A_55 = arith.constant 0 : i32
      %dma_wait3A_56 = tpu.memref_slice %arg4[%add3A_17, %dma_wait3A_55] : memref<16384x256xf32, #tpu.memory_space<hbm>> -> memref<128x256xf32, #tpu.memory_space<hbm>>
      tpu.wait_dma2 semaphore(%run_scoped3A : memref<!tpu.dma_semaphore, #tpu.memory_space<semaphore_mem>>) src(%arg6 : memref<128x256xf32, #tpu.memory_space<vmem>>) dst(%dma_wait3A_56 : memref<128x256xf32, #tpu.memory_space<hbm>>)
      tpu.yield
    }) : () -> ()
    %dma_wait3A_18 = arith.constant 128 : i32
    %dma_wait3A_19 = tpu.memref_slice %arg5[%dma_wait3A_18] : memref<512xi32, #tpu.memory_space<vmem>> -> memref<128xi32, #tpu.memory_space<vmem>>
    %dma_wait3A_20 = arith.constant 0 : i32
    %dma_wait3A_21 = arith.constant 0 : i32
    %dma_wait3A_22 = tpu.memref_slice %arg3[%dma_wait3A_20, %dma_wait3A_21] : memref<8192x256xf32, #tpu.memory_space<hbm>> -> memref<8192x256xf32, #tpu.memory_space<hbm>>
    tpu.wait_indirect_dma semaphore(%arg9 : memref<!tpu.dma_semaphore, #tpu.memory_space<semaphore_mem>>) src(%dma_wait3A_22 : memref<8192x256xf32, #tpu.memory_space<hbm>>) dst(%arg7 : memref<128x256xf32, #tpu.memory_space<vmem>>)
    %dma_start3A_23 = arith.constant 256 : i32
    %dma_start3A_24 = tpu.memref_slice %arg5[%dma_start3A_23] : memref<512xi32, #tpu.memory_space<vmem>> -> memref<128xi32, #tpu.memory_space<vmem>>
    %dma_start3A_25 = arith.constant 0 : i32
    %dma_start3A_26 = arith.constant 0 : i32
    %dma_start3A_27 = tpu.memref_slice %arg3[%dma_start3A_25, %dma_start3A_26] : memref<8192x256xf32, #tpu.memory_space<hbm>> -> memref<8192x256xf32, #tpu.memory_space<hbm>>
    tpu.enqueue_indirect_dma source(%dma_start3A_27 : memref<8192x256xf32, #tpu.memory_space<hbm>>) target(%arg6 : memref<128x256xf32, #tpu.memory_space<vmem>>) offsets(%dma_start3A_24 : memref<128xi32, #tpu.memory_space<vmem>>) semaphore(%arg8 : memref<!tpu.dma_semaphore, #tpu.memory_space<semaphore_mem>>)
    %add3A_28 = arith.constant 128 : i32
    %add3A_29 = arith.addi %mul3A_2, %add3A_28 : i32
    "tpu.region"() ({
      %run_scoped3A = tpu.sem_alloc : memref<!tpu.dma_semaphore, #tpu.memory_space<semaphore_mem>>
      %dma_start3A_49 = arith.constant 0 : i32
      %dma_start3A_50 = tpu.memref_slice %arg4[%add3A_29, %dma_start3A_49] : memref<16384x256xf32, #tpu.memory_space<hbm>> -> memref<128x256xf32, #tpu.memory_space<hbm>>
      %dma_start3A_51 = arith.constant 0 : i32
      %dma_start3A_52 = tpu.memref_slice %arg4[%add3A_29, %dma_start3A_51] : memref<16384x256xf32, #tpu.memory_space<hbm>> -> memref<128x256xf32, #tpu.memory_space<hbm>>
      tpu.enqueue_dma source(%arg7 : memref<128x256xf32, #tpu.memory_space<vmem>>) target(%dma_start3A_52 : memref<128x256xf32, #tpu.memory_space<hbm>>) target_semaphore(%run_scoped3A : memref<!tpu.dma_semaphore, #tpu.memory_space<semaphore_mem>>)
      %dma_wait3A_53 = arith.constant 0 : i32
      %dma_wait3A_54 = tpu.memref_slice %arg4[%add3A_29, %dma_wait3A_53] : memref<16384x256xf32, #tpu.memory_space<hbm>> -> memref<128x256xf32, #tpu.memory_space<hbm>>
      %dma_wait3A_55 = arith.constant 0 : i32
      %dma_wait3A_56 = tpu.memref_slice %arg4[%add3A_29, %dma_wait3A_55] : memref<16384x256xf32, #tpu.memory_space<hbm>> -> memref<128x256xf32, #tpu.memory_space<hbm>>
      tpu.wait_dma2 semaphore(%run_scoped3A : memref<!tpu.dma_semaphore, #tpu.memory_space<semaphore_mem>>) src(%arg7 : memref<128x256xf32, #tpu.memory_space<vmem>>) dst(%dma_wait3A_56 : memref<128x256xf32, #tpu.memory_space<hbm>>)
      tpu.yield
    }) : () -> ()
    %dma_wait3A_30 = arith.constant 256 : i32
    %dma_wait3A_31 = tpu.memref_slice %arg5[%dma_wait3A_30] : memref<512xi32, #tpu.memory_space<vmem>> -> memref<128xi32, #tpu.memory_space<vmem>>
    %dma_wait3A_32 = arith.constant 0 : i32
    %dma_wait3A_33 = arith.constant 0 : i32
    %dma_wait3A_34 = tpu.memref_slice %arg3[%dma_wait3A_32, %dma_wait3A_33] : memref<8192x256xf32, #tpu.memory_space<hbm>> -> memref<8192x256xf32, #tpu.memory_space<hbm>>
    tpu.wait_indirect_dma semaphore(%arg8 : memref<!tpu.dma_semaphore, #tpu.memory_space<semaphore_mem>>) src(%dma_wait3A_34 : memref<8192x256xf32, #tpu.memory_space<hbm>>) dst(%arg6 : memref<128x256xf32, #tpu.memory_space<vmem>>)
    %dma_start3A_35 = arith.constant 384 : i32
    %dma_start3A_36 = tpu.memref_slice %arg5[%dma_start3A_35] : memref<512xi32, #tpu.memory_space<vmem>> -> memref<128xi32, #tpu.memory_space<vmem>>
    %dma_start3A_37 = arith.constant 0 : i32
    %dma_start3A_38 = arith.constant 0 : i32
    %dma_start3A_39 = tpu.memref_slice %arg3[%dma_start3A_37, %dma_start3A_38] : memref<8192x256xf32, #tpu.memory_space<hbm>> -> memref<8192x256xf32, #tpu.memory_space<hbm>>
    tpu.enqueue_indirect_dma source(%dma_start3A_39 : memref<8192x256xf32, #tpu.memory_space<hbm>>) target(%arg7 : memref<128x256xf32, #tpu.memory_space<vmem>>) offsets(%dma_start3A_36 : memref<128xi32, #tpu.memory_space<vmem>>) semaphore(%arg9 : memref<!tpu.dma_semaphore, #tpu.memory_space<semaphore_mem>>)
    %add3A_40 = arith.constant 256 : i32
    %add3A_41 = arith.addi %mul3A_2, %add3A_40 : i32
    "tpu.region"() ({
      %run_scoped3A = tpu.sem_alloc : memref<!tpu.dma_semaphore, #tpu.memory_space<semaphore_mem>>
      %dma_start3A_49 = arith.constant 0 : i32
      %dma_start3A_50 = tpu.memref_slice %arg4[%add3A_41, %dma_start3A_49] : memref<16384x256xf32, #tpu.memory_space<hbm>> -> memref<128x256xf32, #tpu.memory_space<hbm>>
      %dma_start3A_51 = arith.constant 0 : i32
      %dma_start3A_52 = tpu.memref_slice %arg4[%add3A_41, %dma_start3A_51] : memref<16384x256xf32, #tpu.memory_space<hbm>> -> memref<128x256xf32, #tpu.memory_space<hbm>>
      tpu.enqueue_dma source(%arg6 : memref<128x256xf32, #tpu.memory_space<vmem>>) target(%dma_start3A_52 : memref<128x256xf32, #tpu.memory_space<hbm>>) target_semaphore(%run_scoped3A : memref<!tpu.dma_semaphore, #tpu.memory_space<semaphore_mem>>)
      %dma_wait3A_53 = arith.constant 0 : i32
      %dma_wait3A_54 = tpu.memref_slice %arg4[%add3A_41, %dma_wait3A_53] : memref<16384x256xf32, #tpu.memory_space<hbm>> -> memref<128x256xf32, #tpu.memory_space<hbm>>
      %dma_wait3A_55 = arith.constant 0 : i32
      %dma_wait3A_56 = tpu.memref_slice %arg4[%add3A_41, %dma_wait3A_55] : memref<16384x256xf32, #tpu.memory_space<hbm>> -> memref<128x256xf32, #tpu.memory_space<hbm>>
      tpu.wait_dma2 semaphore(%run_scoped3A : memref<!tpu.dma_semaphore, #tpu.memory_space<semaphore_mem>>) src(%arg6 : memref<128x256xf32, #tpu.memory_space<vmem>>) dst(%dma_wait3A_56 : memref<128x256xf32, #tpu.memory_space<hbm>>)
      tpu.yield
    }) : () -> ()
    %dma_wait3A_42 = arith.constant 384 : i32
    %dma_wait3A_43 = tpu.memref_slice %arg5[%dma_wait3A_42] : memref<512xi32, #tpu.memory_space<vmem>> -> memref<128xi32, #tpu.memory_space<vmem>>
    %dma_wait3A_44 = arith.constant 0 : i32
    %dma_wait3A_45 = arith.constant 0 : i32
    %dma_wait3A_46 = tpu.memref_slice %arg3[%dma_wait3A_44, %dma_wait3A_45] : memref<8192x256xf32, #tpu.memory_space<hbm>> -> memref<8192x256xf32, #tpu.memory_space<hbm>>
    tpu.wait_indirect_dma semaphore(%arg9 : memref<!tpu.dma_semaphore, #tpu.memory_space<semaphore_mem>>) src(%dma_wait3A_46 : memref<8192x256xf32, #tpu.memory_space<hbm>>) dst(%arg7 : memref<128x256xf32, #tpu.memory_space<vmem>>)
    %add3A_47 = arith.constant 384 : i32
    %add3A_48 = arith.addi %mul3A_2, %add3A_47 : i32
    "tpu.region"() ({
      %run_scoped3A = tpu.sem_alloc : memref<!tpu.dma_semaphore, #tpu.memory_space<semaphore_mem>>
      %dma_start3A_49 = arith.constant 0 : i32
      %dma_start3A_50 = tpu.memref_slice %arg4[%add3A_48, %dma_start3A_49] : memref<16384x256xf32, #tpu.memory_space<hbm>> -> memref<128x256xf32, #tpu.memory_space<hbm>>
      %dma_start3A_51 = arith.constant 0 : i32
      %dma_start3A_52 = tpu.memref_slice %arg4[%add3A_48, %dma_start3A_51] : memref<16384x256xf32, #tpu.memory_space<hbm>> -> memref<128x256xf32, #tpu.memory_space<hbm>>
      tpu.enqueue_dma source(%arg7 : memref<128x256xf32, #tpu.memory_space<vmem>>) target(%dma_start3A_52 : memref<128x256xf32, #tpu.memory_space<hbm>>) target_semaphore(%run_scoped3A : memref<!tpu.dma_semaphore, #tpu.memory_space<semaphore_mem>>)
      %dma_wait3A_53 = arith.constant 0 : i32
      %dma_wait3A_54 = tpu.memref_slice %arg4[%add3A_48, %dma_wait3A_53] : memref<16384x256xf32, #tpu.memory_space<hbm>> -> memref<128x256xf32, #tpu.memory_space<hbm>>
      %dma_wait3A_55 = arith.constant 0 : i32
      %dma_wait3A_56 = tpu.memref_slice %arg4[%add3A_48, %dma_wait3A_55] : memref<16384x256xf32, #tpu.memory_space<hbm>> -> memref<128x256xf32, #tpu.memory_space<hbm>>
      tpu.wait_dma2 semaphore(%run_scoped3A : memref<!tpu.dma_semaphore, #tpu.memory_space<semaphore_mem>>) src(%arg7 : memref<128x256xf32, #tpu.memory_space<vmem>>) dst(%dma_wait3A_56 : memref<128x256xf32, #tpu.memory_space<hbm>>)
      tpu.yield
    }) : () -> ()
    return
  }
}

module attributes {stable_mosaic.version = 14 : i64} {
  func.func @_argmin_body(%arg0: i32, %arg1: memref<2048x256xbf16, #tpu.memory_space<vmem>>, %arg2: memref<2048x1xf32, #tpu.memory_space<vmem>>, %arg3: memref<1x8192xf32, #tpu.memory_space<vmem>>, %arg4: memref<256x8192xbf16, #tpu.memory_space<vmem>>, %arg5: memref<2048x1xi32, #tpu.memory_space<vmem>>) attributes {dimension_semantics = [#tpu.dimension_semantics<arbitrary>], iteration_bounds = array<i64: 8>, scalar_prefetch = 0 : i64, scratch_operands = 0 : i64, tpu.core_type = #tpu.core_type<tc>, window_params = [{transform_indices = @transform_0, window_bounds = array<i64: 2048, 256>}, {transform_indices = @transform_1, window_bounds = array<i64: 2048, 1>}, {pipeline_mode = #tpu.pipeline_mode<synchronous>, transform_indices = @transform_2, window_bounds = array<i64: 1, 8192>}, {pipeline_mode = #tpu.pipeline_mode<synchronous>, transform_indices = @transform_3, window_bounds = array<i64: 256, 8192>}, {transform_indices = @transform_4, window_bounds = array<i64: 2048, 1>}]} {
    %get3A = arith.constant 0 : index
    %get3A_0 = arith.constant 0 : index
    %get3A_1 = vector.load %arg2[%get3A, %get3A_0] : memref<2048x1xf32, #tpu.memory_space<vmem>>, vector<2048x1xf32>
    %iota3A = tpu.iota {dimensions = array<i32: 1>} : vector<1x2816xi32>
    %convert_element_type3A = arith.sitofp %iota3A : vector<1x2816xi32> to vector<1x2816xf32>
    %get3A_2 = arith.constant 0 : index
    %get3A_3 = arith.constant 0 : index
    %get3A_4 = vector.load %arg1[%get3A_2, %get3A_3] : memref<2048x256xbf16, #tpu.memory_space<vmem>>, vector<2048x256xbf16>
    %get3A_5 = arith.constant 0 : index
    %get3A_6 = arith.constant 0 : index
    %get3A_7 = vector.load %arg4[%get3A_5, %get3A_6] : memref<256x8192xbf16, #tpu.memory_space<vmem>>, vector<256x2816xbf16>
    %dot_general3A = arith.constant dense<0.000000e+00> : vector<2048x2816xf32>
    %dot_general3A_8 = tpu.matmul %get3A_4, %get3A_7, %dot_general3A {dimension_numbers = #tpu.dot_dimension_numbers<[1], [0], [0], [1], [0, 0, 1, 1], [], []>, transpose_lhs_hint = false} : vector<2048x256xbf16>, vector<256x2816xbf16>, vector<2048x2816xf32> -> vector<2048x2816xf32>
    %add3A = vector.broadcast %get3A_1 : vector<2048x1xf32> to vector<2048x2816xf32>
    %add3A_9 = arith.addf %add3A, %dot_general3A_8 : vector<2048x2816xf32>
    %get3A_10 = arith.constant 0 : index
    %get3A_11 = arith.constant 0 : index
    %get3A_12 = vector.load %arg3[%get3A_10, %get3A_11] : memref<1x8192xf32, #tpu.memory_space<vmem>>, vector<1x2816xf32>
    %add3A_13 = vector.broadcast %get3A_12 : vector<1x2816xf32> to vector<2048x2816xf32>
    %add3A_14 = arith.addf %add3A_9, %add3A_13 : vector<2048x2816xf32>
    %reduce_min3A = arith.constant dense<0x7F800000> : vector<2048xf32>
    %reduce_min3A_15 = vector.multi_reduction <minimumf>, %add3A_14, %reduce_min3A [1] : vector<2048x2816xf32> to vector<2048xf32>
    %broadcast_in_dim3A = vector.shape_cast %reduce_min3A_15 : vector<2048xf32> to vector<2048x1xf32>
    %eq3A = vector.broadcast %broadcast_in_dim3A : vector<2048x1xf32> to vector<2048x2816xf32>
    %eq3A_16 = arith.cmpf oeq, %add3A_14, %eq3A : vector<2048x2816xf32>
    %jit3A = arith.constant 3.000000e+38 : f32
    %broadcast_in_dim3A_17 = vector.shape_cast %convert_element_type3A : vector<1x2816xf32> to vector<1x2816xf32>
    %broadcast_in_dim3A_18 = vector.broadcast %broadcast_in_dim3A_17 : vector<1x2816xf32> to vector<2048x2816xf32>
    %broadcast_in_dim3A_19 = vector.broadcast %jit3A : f32 to vector<2048x2816xf32>
    %select_n3A = arith.select %eq3A_16, %broadcast_in_dim3A_18, %broadcast_in_dim3A_19 : vector<2048x2816xi1>, vector<2048x2816xf32>
    %reduce_min3A_20 = arith.constant dense<0x7F800000> : vector<2048xf32>
    %reduce_min3A_21 = vector.multi_reduction <minimumf>, %select_n3A, %reduce_min3A_20 [1] : vector<2048x2816xf32> to vector<2048xf32>
    %broadcast_in_dim3A_22 = vector.shape_cast %reduce_min3A_21 : vector<2048xf32> to vector<2048x1xf32>
    %convert_element_type3A_23 = arith.fptosi %broadcast_in_dim3A_22 : vector<2048x1xf32> to vector<2048x1xi32>
    %add3A_24 = arith.constant 0 : i32
    %add3A_25 = vector.broadcast %add3A_24 : i32 to vector<2048x1xi32>
    %add3A_26 = arith.addi %convert_element_type3A_23, %add3A_25 : vector<2048x1xi32>
    %get3A_27 = arith.constant 0 : index
    %get3A_28 = arith.constant 0 : index
    %get3A_29 = vector.load %arg1[%get3A_27, %get3A_28] : memref<2048x256xbf16, #tpu.memory_space<vmem>>, vector<2048x256xbf16>
    %get3A_30 = arith.constant 0 : index
    %get3A_31 = arith.constant 2816 : index
    %get3A_32 = vector.load %arg4[%get3A_30, %get3A_31] : memref<256x8192xbf16, #tpu.memory_space<vmem>>, vector<256x2816xbf16>
    %dot_general3A_33 = arith.constant dense<0.000000e+00> : vector<2048x2816xf32>
    %dot_general3A_34 = tpu.matmul %get3A_29, %get3A_32, %dot_general3A_33 {dimension_numbers = #tpu.dot_dimension_numbers<[1], [0], [0], [1], [0, 0, 1, 1], [], []>, transpose_lhs_hint = false} : vector<2048x256xbf16>, vector<256x2816xbf16>, vector<2048x2816xf32> -> vector<2048x2816xf32>
    %add3A_35 = vector.broadcast %get3A_1 : vector<2048x1xf32> to vector<2048x2816xf32>
    %add3A_36 = arith.addf %add3A_35, %dot_general3A_34 : vector<2048x2816xf32>
    %get3A_37 = arith.constant 0 : index
    %get3A_38 = arith.constant 2816 : index
    %get3A_39 = vector.load %arg3[%get3A_37, %get3A_38] : memref<1x8192xf32, #tpu.memory_space<vmem>>, vector<1x2816xf32>
    %add3A_40 = vector.broadcast %get3A_39 : vector<1x2816xf32> to vector<2048x2816xf32>
    %add3A_41 = arith.addf %add3A_36, %add3A_40 : vector<2048x2816xf32>
    %reduce_min3A_42 = arith.constant dense<0x7F800000> : vector<2048xf32>
    %reduce_min3A_43 = vector.multi_reduction <minimumf>, %add3A_41, %reduce_min3A_42 [1] : vector<2048x2816xf32> to vector<2048xf32>
    %broadcast_in_dim3A_44 = vector.shape_cast %reduce_min3A_43 : vector<2048xf32> to vector<2048x1xf32>
    %eq3A_45 = vector.broadcast %broadcast_in_dim3A_44 : vector<2048x1xf32> to vector<2048x2816xf32>
    %eq3A_46 = arith.cmpf oeq, %add3A_41, %eq3A_45 : vector<2048x2816xf32>
    %jit3A_47 = arith.constant 3.000000e+38 : f32
    %broadcast_in_dim3A_48 = vector.shape_cast %convert_element_type3A : vector<1x2816xf32> to vector<1x2816xf32>
    %broadcast_in_dim3A_49 = vector.broadcast %broadcast_in_dim3A_48 : vector<1x2816xf32> to vector<2048x2816xf32>
    %broadcast_in_dim3A_50 = vector.broadcast %jit3A_47 : f32 to vector<2048x2816xf32>
    %select_n3A_51 = arith.select %eq3A_46, %broadcast_in_dim3A_49, %broadcast_in_dim3A_50 : vector<2048x2816xi1>, vector<2048x2816xf32>
    %reduce_min3A_52 = arith.constant dense<0x7F800000> : vector<2048xf32>
    %reduce_min3A_53 = vector.multi_reduction <minimumf>, %select_n3A_51, %reduce_min3A_52 [1] : vector<2048x2816xf32> to vector<2048xf32>
    %broadcast_in_dim3A_54 = vector.shape_cast %reduce_min3A_53 : vector<2048xf32> to vector<2048x1xf32>
    %convert_element_type3A_55 = arith.fptosi %broadcast_in_dim3A_54 : vector<2048x1xf32> to vector<2048x1xi32>
    %add3A_56 = arith.constant 2816 : i32
    %add3A_57 = vector.broadcast %add3A_56 : i32 to vector<2048x1xi32>
    %add3A_58 = arith.addi %convert_element_type3A_55, %add3A_57 : vector<2048x1xi32>
    %get3A_59 = arith.constant 0 : index
    %get3A_60 = arith.constant 0 : index
    %get3A_61 = vector.load %arg1[%get3A_59, %get3A_60] : memref<2048x256xbf16, #tpu.memory_space<vmem>>, vector<2048x256xbf16>
    %get3A_62 = arith.constant 0 : index
    %get3A_63 = arith.constant 5632 : index
    %get3A_64 = vector.load %arg4[%get3A_62, %get3A_63] : memref<256x8192xbf16, #tpu.memory_space<vmem>>, vector<256x2560xbf16>
    %dot_general3A_65 = arith.constant dense<0.000000e+00> : vector<2048x2560xf32>
    %dot_general3A_66 = tpu.matmul %get3A_61, %get3A_64, %dot_general3A_65 {dimension_numbers = #tpu.dot_dimension_numbers<[1], [0], [0], [1], [0, 0, 1, 1], [], []>, transpose_lhs_hint = false} : vector<2048x256xbf16>, vector<256x2560xbf16>, vector<2048x2560xf32> -> vector<2048x2560xf32>
    %add3A_67 = vector.broadcast %get3A_1 : vector<2048x1xf32> to vector<2048x2560xf32>
    %add3A_68 = arith.addf %add3A_67, %dot_general3A_66 : vector<2048x2560xf32>
    %get3A_69 = arith.constant 0 : index
    %get3A_70 = arith.constant 5632 : index
    %get3A_71 = vector.load %arg3[%get3A_69, %get3A_70] : memref<1x8192xf32, #tpu.memory_space<vmem>>, vector<1x2560xf32>
    %add3A_72 = vector.broadcast %get3A_71 : vector<1x2560xf32> to vector<2048x2560xf32>
    %add3A_73 = arith.addf %add3A_68, %add3A_72 : vector<2048x2560xf32>
    %reduce_min3A_74 = arith.constant dense<0x7F800000> : vector<2048xf32>
    %reduce_min3A_75 = vector.multi_reduction <minimumf>, %add3A_73, %reduce_min3A_74 [1] : vector<2048x2560xf32> to vector<2048xf32>
    %broadcast_in_dim3A_76 = vector.shape_cast %reduce_min3A_75 : vector<2048xf32> to vector<2048x1xf32>
    %eq3A_77 = vector.broadcast %broadcast_in_dim3A_76 : vector<2048x1xf32> to vector<2048x2560xf32>
    %eq3A_78 = arith.cmpf oeq, %add3A_73, %eq3A_77 : vector<2048x2560xf32>
    %slice3A = vector.extract_strided_slice %convert_element_type3A {offsets = [0, 0], sizes = [1, 2560], strides = [1, 1]} : vector<1x2816xf32> to vector<1x2560xf32>
    %jit3A_79 = arith.constant 3.000000e+38 : f32
    %broadcast_in_dim3A_80 = vector.shape_cast %slice3A : vector<1x2560xf32> to vector<1x2560xf32>
    %broadcast_in_dim3A_81 = vector.broadcast %broadcast_in_dim3A_80 : vector<1x2560xf32> to vector<2048x2560xf32>
    %broadcast_in_dim3A_82 = vector.broadcast %jit3A_79 : f32 to vector<2048x2560xf32>
    %select_n3A_83 = arith.select %eq3A_78, %broadcast_in_dim3A_81, %broadcast_in_dim3A_82 : vector<2048x2560xi1>, vector<2048x2560xf32>
    %reduce_min3A_84 = arith.constant dense<0x7F800000> : vector<2048xf32>
    %reduce_min3A_85 = vector.multi_reduction <minimumf>, %select_n3A_83, %reduce_min3A_84 [1] : vector<2048x2560xf32> to vector<2048xf32>
    %broadcast_in_dim3A_86 = vector.shape_cast %reduce_min3A_85 : vector<2048xf32> to vector<2048x1xf32>
    %convert_element_type3A_87 = arith.fptosi %broadcast_in_dim3A_86 : vector<2048x1xf32> to vector<2048x1xi32>
    %add3A_88 = arith.constant 5632 : i32
    %add3A_89 = vector.broadcast %add3A_88 : i32 to vector<2048x1xi32>
    %add3A_90 = arith.addi %convert_element_type3A_87, %add3A_89 : vector<2048x1xi32>
    %convert_element_type3A_91 = arith.truncf %broadcast_in_dim3A : vector<2048x1xf32> to vector<2048x1xbf16>
    %convert_element_type3A_92 = arith.extf %convert_element_type3A_91 : vector<2048x1xbf16> to vector<2048x1xf32>
    %lt3A = arith.cmpf olt, %broadcast_in_dim3A_44, %convert_element_type3A_92 : vector<2048x1xf32>
    %select_n3A_93 = arith.select %lt3A, %broadcast_in_dim3A_44, %convert_element_type3A_92 : vector<2048x1xi1>, vector<2048x1xf32>
    %convert_element_type3A_94 = arith.truncf %select_n3A_93 : vector<2048x1xf32> to vector<2048x1xbf16>
    %convert_element_type3A_95 = arith.extf %convert_element_type3A_94 : vector<2048x1xbf16> to vector<2048x1xf32>
    %select_n3A_96 = arith.select %lt3A, %add3A_58, %add3A_26 : vector<2048x1xi1>, vector<2048x1xi32>
    %lt3A_97 = arith.cmpf olt, %broadcast_in_dim3A_76, %convert_element_type3A_95 : vector<2048x1xf32>
    %select_n3A_98 = arith.select %lt3A_97, %add3A_90, %select_n3A_96 : vector<2048x1xi1>, vector<2048x1xi32>
    %swap3A = arith.constant 0 : index
    %swap3A_99 = arith.constant 0 : index
    %swap3A_100 = vector.load %arg5[%swap3A, %swap3A_99] : memref<2048x1xi32, #tpu.memory_space<vmem>>, vector<2048x1xi32>
    tpu.vector_store %arg5[%swap3A, %swap3A_99], %select_n3A_98 {strides = array<i32>} : memref<2048x1xi32, #tpu.memory_space<vmem>>, vector<2048x1xi32>,
    return
  }
  func.func @transform_0(%arg0: i32) -> (i32, i32) {
    %c0_i32 = arith.constant 0 : i32
    %c0_i32_0 = arith.constant 0 : i32
    return %arg0, %c0_i32 : i32, i32
  }
  func.func @transform_1(%arg0: i32) -> (i32, i32) {
    %c0_i32 = arith.constant 0 : i32
    %c0_i32_0 = arith.constant 0 : i32
    return %arg0, %c0_i32 : i32, i32
  }
  func.func @transform_2(%arg0: i32) -> (i32, i32) {
    %c0_i32 = arith.constant 0 : i32
    %c0_i32_0 = arith.constant 0 : i32
    %c0_i32_1 = arith.constant 0 : i32
    return %c0_i32, %c0_i32_0 : i32, i32
  }
  func.func @transform_3(%arg0: i32) -> (i32, i32) {
    %c0_i32 = arith.constant 0 : i32
    %c0_i32_0 = arith.constant 0 : i32
    %c0_i32_1 = arith.constant 0 : i32
    return %c0_i32, %c0_i32_0 : i32, i32
  }
  func.func @transform_4(%arg0: i32) -> (i32, i32) {
    %c0_i32 = arith.constant 0 : i32
    %c0_i32_0 = arith.constant 0 : i32
    return %arg0, %c0_i32 : i32, i32
  }
}

module attributes {stable_mosaic.version = 14 : i64} {
  func.func @_epilogue_body(%arg0: i32, %arg1: memref<1024x256xf32, #tpu.memory_space<vmem>>, %arg2: memref<1024x256xf32, #tpu.memory_space<vmem>>, %arg3: memref<1024x256xf32, #tpu.memory_space<vmem>>, %arg4: memref<1x1xf32, #tpu.memory_space<vmem>>, %arg5: memref<1x1xf32, #tpu.memory_space<smem>>) attributes {dimension_semantics = [#tpu.dimension_semantics<arbitrary>], iteration_bounds = array<i64: 16>, scalar_prefetch = 0 : i64, scratch_operands = 1 : i64, tpu.core_type = #tpu.core_type<tc>, window_params = [{transform_indices = @transform_0, window_bounds = array<i64: 1024, 256>}, {transform_indices = @transform_1, window_bounds = array<i64: 1024, 256>}, {transform_indices = @transform_2, window_bounds = array<i64: 1024, 256>}, {pipeline_mode = #tpu.pipeline_mode<synchronous>, transform_indices = @transform_3, window_bounds = array<i64: 1, 1>}]} {
    %get3A = arith.constant 0 : index
    %get3A_0 = arith.constant 0 : index
    %get3A_1 = vector.load %arg2[%get3A, %get3A_0] : memref<1024x256xf32, #tpu.memory_space<vmem>>, vector<1024x256xf32>
    %get3A_2 = arith.constant 0 : index
    %get3A_3 = arith.constant 0 : index
    %get3A_4 = vector.load %arg1[%get3A_2, %get3A_3] : memref<1024x256xf32, #tpu.memory_space<vmem>>, vector<1024x256xf32>
    %sub3A = arith.subf %get3A_1, %get3A_4 : vector<1024x256xf32>
    %get3A_5 = arith.constant 0 : index
    %get3A_6 = arith.constant 0 : index
    %get3A_7 = vector.load %arg1[%get3A_5, %get3A_6] : memref<1024x256xf32, #tpu.memory_space<vmem>>, vector<1024x256xf32>
    %add3A = arith.addf %get3A_7, %sub3A : vector<1024x256xf32>
    %swap3A = arith.constant 0 : index
    %swap3A_8 = arith.constant 0 : index
    %swap3A_9 = vector.load %arg3[%swap3A, %swap3A_8] : memref<1024x256xf32, #tpu.memory_space<vmem>>, vector<1024x256xf32>
    tpu.vector_store %arg3[%swap3A, %swap3A_8], %add3A {strides = array<i32>} : memref<1024x256xf32, #tpu.memory_space<vmem>>, vector<1024x256xf32>,
    %eq3A = arith.constant 0 : i32
    %eq3A_10 = arith.cmpi eq, %arg0, %eq3A : i32
    %convert_element_type3A = arith.extui %eq3A_10 : i1 to i32
    %cond3A = arith.constant 0 : i32
    %cond3A_11 = arith.cmpi ne, %convert_element_type3A, %cond3A : i32
    scf.if %cond3A_11 {
      %swap3A_28 = arith.constant 0.000000e+00 : f32
      %swap3A_29 = arith.constant 0 : index
      %swap3A_30 = arith.constant 0 : index
      %swap3A_31 = memref.load %arg5[%swap3A_29, %swap3A_30] : memref<1x1xf32, #tpu.memory_space<smem>>
      memref.store %swap3A_28, %arg5[%swap3A_29, %swap3A_30] : memref<1x1xf32, #tpu.memory_space<smem>>
    } else {
    }
    %get3A_12 = arith.constant 0 : index
    %get3A_13 = arith.constant 0 : index
    %get3A_14 = memref.load %arg5[%get3A_12, %get3A_13] : memref<1x1xf32, #tpu.memory_space<smem>>
    %mul3A = arith.mulf %sub3A, %sub3A : vector<1024x256xf32>
    %reduce_sum3A = vector.shape_cast %mul3A : vector<1024x256xf32> to vector<1x1024x256xf32>
    %reduce_sum3A_15 = arith.constant dense<0.000000e+00> : vector<1xf32>
    %reduce_sum3A_16 = vector.multi_reduction <add>, %reduce_sum3A, %reduce_sum3A_15 [1, 2] : vector<1x1024x256xf32> to vector<1xf32>
    %reduce_sum3A_17 = vector.shape_cast %reduce_sum3A_16 : vector<1xf32> to vector<1x1x1xf32>
    %reduce_sum3A_18 = vector.extract %reduce_sum3A_17[0, 0, 0] : f32 from vector<1x1x1xf32>
    %add3A_19 = arith.addf %get3A_14, %reduce_sum3A_18 : f32
    %swap3A_20 = arith.constant 0 : index
    %swap3A_21 = arith.constant 0 : index
    %swap3A_22 = memref.load %arg5[%swap3A_20, %swap3A_21] : memref<1x1xf32, #tpu.memory_space<smem>>
    memref.store %add3A_19, %arg5[%swap3A_20, %swap3A_21] : memref<1x1xf32, #tpu.memory_space<smem>>
    %eq3A_23 = arith.constant 15 : i32
    %eq3A_24 = arith.cmpi eq, %arg0, %eq3A_23 : i32
    %convert_element_type3A_25 = arith.extui %eq3A_24 : i1 to i32
    %cond3A_26 = arith.constant 0 : i32
    %cond3A_27 = arith.cmpi ne, %convert_element_type3A_25, %cond3A_26 : i32
    scf.if %cond3A_27 {
      %get3A_28 = arith.constant 0 : index
      %get3A_29 = arith.constant 0 : index
      %get3A_30 = memref.load %arg5[%get3A_28, %get3A_29] : memref<1x1xf32, #tpu.memory_space<smem>>
      %mul3A_31 = arith.constant 2.38418579E-7 : f32
      %mul3A_32 = arith.mulf %get3A_30, %mul3A_31 : f32
      %broadcast_in_dim3A = vector.broadcast %mul3A_32 : f32 to vector<1x1xf32>
      %swap3A_33 = arith.constant 0 : index
      %swap3A_34 = arith.constant 0 : index
      %swap3A_35 = vector.load %arg4[%swap3A_33, %swap3A_34] : memref<1x1xf32, #tpu.memory_space<vmem>>, vector<1x1xf32>
      tpu.vector_store %arg4[%swap3A_33, %swap3A_34], %broadcast_in_dim3A {strides = array<i32>} : memref<1x1xf32, #tpu.memory_space<vmem>>, vector<1x1xf32>,
    } else {
    }
    return
  }
  func.func @transform_0(%arg0: i32) -> (i32, i32) {
    %c0_i32 = arith.constant 0 : i32
    %c0_i32_0 = arith.constant 0 : i32
    return %arg0, %c0_i32 : i32, i32
  }
  func.func @transform_1(%arg0: i32) -> (i32, i32) {
    %c0_i32 = arith.constant 0 : i32
    %c0_i32_0 = arith.constant 0 : i32
    return %arg0, %c0_i32 : i32, i32
  }
  func.func @transform_2(%arg0: i32) -> (i32, i32) {
    %c0_i32 = arith.constant 0 : i32
    %c0_i32_0 = arith.constant 0 : i32
    return %arg0, %c0_i32 : i32, i32
  }
  func.func @transform_3(%arg0: i32) -> (i32, i32) {
    %c0_i32 = arith.constant 0 : i32
    %c0_i32_0 = arith.constant 0 : i32
    %c0_i32_1 = arith.constant 0 : i32
    return %c0_i32, %c0_i32_0 : i32, i32
  }
}

</mosaic_0001>

<sc_bundles>
// kernel: kernel.5.cloned.1.call-start
scs
__scs_entry_jumppad:
0x0: {  	(pc) =	sbr.rel $0x88, $3  }
0x1: {  	(tag) =	ssettag $0x0;
	lr =	simm.s32 $0x1  }
0x2: {  	[smem:$0x3F9F] =	sst lr;
	_ =	strace $0xD0000000  }
0x3: {  	_ = 	snop  }
0x4: {  	_ = 	snop  }
0x5: {  	_ = 	snop  }
0x6: {  	_ = 	snop  }
0x7: {  	_ = 	snop  }
__scs_overlays_trampoline_lowered:
0x8: {  	[smem:$0x3FAE] =	sst s0  }
0x9: {  	[smem:$0x3FAF] =	sst s1  }
0xa: {  	[smem:$0x3FB0] =	sst s2  }
0xb: {  	[smem:$0x3FB1] =	sst s3  }
0xc: {  	[smem:$0x3FB2] =	sst s4  }
0xd: {  	[smem:$0x3FB3] =	sst s5  }
0xe: {  	[smem:$0x3FB4] =	sst s6  }
0xf: {  	[smem:$0x3FB5] =	sst s7  }
0x10: {  	[smem:$0x3FB6] =	sst s8  }
0x11: {  	[smem:$0x3FB7] =	sst s9;
	s0 =	simm.s32 @!p0 $0x0  }
0x12: {  	s1 =	sld [smem:$0x3F9D];
	s0 =	simm.s32 @p0 $0x1  }
0x13: {  	[smem:$0x3FB8] =	sst s0;
	s0 =	simm.s32 @!p1 $0x0  }
0x14: {  	s2 =	sld [smem:$0x3F9C];
	s0 =	simm.s32 @p1 $0x1  }
0x15: {  	[smem:$0x3FB9] =	sst s0;
	s0 =	simm.s32 @!p2 $0x0  }
0x16: {  	s3 =	sld [smem:$0x3FDB];
	s0 =	simm.s32 @p2 $0x1  }
0x17: {  	s4 =	simm.s32 $0x1BF5;
	[smem:$0x3FBB] =	sst s0  }
0x18: {  	s0 =	sld [smem:$0x3F9E];
	_ =	swait.ge [sflag:s4], $0x0  }
0x19: {  	s7 =	sld [smem:$0x3F9F]  }
0x1a: {  	s8 =	sadd.s32 $0xFFFFE003, lr  }
0x1b: {  	s9 =	sadd.s32 $0xFFFFFEF7, lr;
	s5 =	simm.s32 $0xFFFFFFFF;
	p2 =	slt.u32 s8, $0xFFFFF086  }
0x1c: {  	p1 =	slt.u32 s9, $0xF7A;
	s5 =	simm.s32 @!p2 $0x0  }
0x1d: {  	s5 =	simm.s32 @p1 $0x1;
	p0 =	seq.s32 s7, s2  }
0x1e: {  	s7 =	smul.u32 @!p0 $0xF7A, s2;
	p2 =	seq.s32 @!p0 s5, $0x0  }
0x1f: {  	s9 =	smul.u32 $0xF7A, s1;
	s8 =	simm.s32 @!p0 $0x1BF5;
	p2 =	por !p2, p0  }
0x20: {  	[sflag:s8] =	ssyncset.s32 @!p0 $0xFFFFF086;
	s6 =	sadd.s32 @!p0 s3, s7;
	s7 =	simm.s32 @!p0 $0x108  }
0x21: {  	s3 =	sadd.s32 s3, s9;
	s6 =	sadd.s32 @!p0 $0x88, s6;
	s7 =	simm.s32 @p2 $0x1082  }
0x22: {  	[simem:s7], [sflag:s8] =	dma.local @!p0 [hbm:s6], $0xF7A  }
0x23: {  	s9 =	sor.u32 $0xD0000000, s2;
	s6 =	simm.s32 $0x108;
	_ =	swait.ge @!p0 [sflag:s8], $0x0  }
0x24: {  	s3 =	sadd.s32 $0x88, s3;
	s6 =	simm.s32 @!p1 $0x1082;
	[sflag:s4] =	ssyncset.s32 $0xFFFFF086  }
0x25: {  	[simem:s6], [sflag:s4] =	dma.local [hbm:s3], $0xF7A  }
0x26: {  	[smem:$0x3F9F] =	sst s1;
	(tag) =	ssettag s2;
	_ =	strace s9  }
0x27: {  	s1 =	sld [smem:$0x3FAF]  }
0x28: {  	s2 =	sld [smem:$0x3FB0]  }
0x29: {  	s4 =	sld [smem:$0x3FB2]  }
0x2a: {  	p0 =	seq.s32 s5, $0x0;
	s5 =	sld [smem:$0x3FB3]  }
0x2b: {  	s6 =	sld [smem:$0x3FB4]  }
0x2c: {  	s7 =	sld [smem:$0x3FB5]  }
0x2d: {  	s3 =	simm.s32 $0x108;
	s8 =	sld [smem:$0x3FB6]  }
0x2e: {  	s3 =	simm.s32 @!p0 $0x1082;
	s9 =	sld [smem:$0x3FB7]  }
0x2f: {  	lr =	sadd.s32 s0, s3;
	s0 =	sld [smem:$0x3FAE]  }
0x30: {  	s3 =	sld [smem:$0x3FB1]  }
0x31: {  	[smem:$0x3FBA] =	sst s10  }
0x32: {  	s10 =	sld [smem:$0x3FB8];
	_ =	sdelay $0x3  }
0x33: {  	p0 =	seq.s32 s10, $0x1;
	s10 =	sld [smem:$0x3FBA];
	_ =	sdelay $0x3  }
0x34: {  	[smem:$0x3FBA] =	sst s10  }
0x35: {  	s10 =	sld [smem:$0x3FB9];
	_ =	sdelay $0x3  }
0x36: {  	p1 =	seq.s32 s10, $0x1;
	s10 =	sld [smem:$0x3FBA];
	_ =	sdelay $0x3  }
0x37: {  	[smem:$0x3FBA] =	sst s10  }
0x38: {  	s10 =	sld [smem:$0x3FBB]  }
0x39: {  	_ = 	snop;
	(pc) =	sbr.ind lr, $3  }
0x3a: {  	_ = 	snop  }
0x3b: {  	_ = 	snop  }
0x3c: {  	p2 =	seq.s32 s10, $0x1;
	s10 =	sld [smem:$0x3FBA]  }
0x3d: {  	_ =	shalt  }
0x3e: {  	_ =	shalt  }
0x3f: {  	_ =	shalt  }
0x40: {  	_ =	shalt  }
0x41: {  	_ =	shalt  }
0x42: {  	_ =	shalt  }
0x43: {  	_ =	shalt  }
0x44: {  	_ =	shalt  }
0x45: {  	_ =	shalt  }
0x46: {  	_ =	shalt  }
0x47: {  	_ =	shalt  }
0x48: {  	_ =	shalt  }
0x49: {  	_ =	shalt  }
0x4a: {  	_ =	shalt  }
0x4b: {  	_ =	shalt  }
0x4c: {  	_ =	shalt  }
0x4d: {  	_ =	shalt  }
0x4e: {  	_ =	shalt  }
0x4f: {  	_ =	shalt  }
0x50: {  	_ =	shalt  }
0x51: {  	_ =	shalt  }
0x52: {  	_ =	shalt  }
0x53: {  	_ =	shalt  }
0x54: {  	_ =	shalt  }
0x55: {  	_ =	shalt  }
0x56: {  	_ =	shalt  }
0x57: {  	_ =	shalt  }
0x58: {  	_ =	shalt  }
0x59: {  	_ =	shalt  }
0x5a: {  	_ =	shalt  }
0x5b: {  	_ =	shalt  }
0x5c: {  	_ =	shalt  }
0x5d: {  	_ =	shalt  }
0x5e: {  	_ =	shalt  }
0x5f: {  	_ =	shalt  }
0x60: {  	_ =	shalt  }
0x61: {  	_ =	shalt  }
0x62: {  	_ =	shalt  }
0x63: {  	_ =	shalt  }
0x64: {  	_ =	shalt  }
0x65: {  	_ =	shalt  }
0x66: {  	_ =	shalt  }
0x67: {  	_ =	shalt  }
0x68: {  	_ =	shalt  }
0x69: {  	_ =	shalt  }
0x6a: {  	_ =	shalt  }
0x6b: {  	_ =	shalt  }
0x6c: {  	_ =	shalt  }
0x6d: {  	_ =	shalt  }
0x6e: {  	_ =	shalt  }
0x6f: {  	_ =	shalt  }
0x70: {  	_ =	shalt  }
0x71: {  	_ =	shalt  }
0x72: {  	_ =	shalt  }
0x73: {  	_ =	shalt  }
0x74: {  	_ =	shalt  }
0x75: {  	_ =	shalt  }
0x76: {  	_ =	shalt  }
0x77: {  	_ =	shalt  }
0x78: {  	_ =	shalt  }
0x79: {  	_ =	shalt  }
0x7a: {  	_ =	shalt  }
0x7b: {  	_ =	shalt  }
0x7c: {  	_ =	shalt  }
0x7d: {  	_ =	shalt  }
0x7e: {  	_ =	shalt  }
0x7f: {  	_ =	shalt  }
0x80: {  	_ =	shalt  }
0x81: {  	_ =	shalt  }
0x82: {  	_ =	shalt  }
0x83: {  	_ =	shalt  }
0x84: {  	_ =	shalt  }
0x85: {  	_ =	shalt  }
0x86: {  	_ =	shalt  }
0x87: {  	_ =	shalt  }
.Lfunc_end0:
.L_simem_size_0:
called_computation_lowered:
.L_overlay_start_0:
0x88: {  	s2 =	sld [smem:$0x3FD9]  }
0x89: {  	s3 =	sld [smem:$0x3FFE];
	_ =	sdelay $0x1  }
0x8a: {  	s1 =	srdreg.scid  }
0x8b: {  	s0 =	sand.u32 $0x1, s1  }
0x8c: {  	s14 =	sshll.u32 s0, $0xA;
	s2 =	sadd.s32 s3, s2  }
0x8d: {  	s2 =	sadd.s32 s2, s14  }
0x8e: {  	[smem:$0x3FC6] =	sst s2  }
0x8f: {  	_ = 	snop  }
0x90: {  	s2 =	sld [smem:$0x3FD0];
	_ =	sdelay $0x2  }
0x91: {  	s15 =	simm.s32 $0xA;
	s4 =	simm.s32 $0x10  }
0x92: {  	[smem:s4], [sflag:s15] =	dma.local [hbm:s2], $0x1  }
0x93: {  	_ =	swait.eq [sflag:s15], $0x1  }
0x94: {  	[sflag:s15] =	ssyncset.done $0x0  }
0x95: {  	[sflag:s15] =	ssyncadd.s32 $0xFFFFFFFF  }
0x96: {  	s16 =	sld [smem:$0x10];
	(tm) =	ssettm $0x1  }
0x97: {  	s17 =	sld [smem:$0x3FFB];
	_ =	sdelay $0x3  }
0x98: {  	_ =	strace s17  }
0x99: {  	s3 =	sld [smem:$0x3FFC];
	_ =	sdelay $0x3  }
0x9a: {  	_ =	strace s3  }
0x9b: {  	s3 =	sld [smem:$0x3FFD];
	_ =	sdelay $0x3  }
0x9c: {  	_ =	strace s3  }
0x9d: {  	_ =	strace $0x8FFFFFFF  }
0x9e: {  	s18 =	sld [smem:$0x3FDB];
	_ =	sdelay $0x1  }
0x9f: {  	s19 =	simm.s32 $_scs_section_size  }
0xa0: {  	s5 =	simm.s32 $_size__tile_overlayer_lowered;
	s6 =	simm.s32 $_tile_overlayer_lowered  }
0xa1: {  	s22 =	simm.s32 $0x1BFF;
	s21 =	sshll.u32 s6, $0x1;
	s3 =	sadd.s32 s19, s18  }
0xa2: {  	s7 =	simm.s32 $0x0;
	s20 =	sshll.u32 s5, $0x1;
	s5 =	sadd.s32 s21, s3  }
0xa3: {  	[timem:s7], [sflag:s22] =	dma.local [hbm:s5], s20  }
0xa4: {  	_ =	swait.ge [sflag:s22], s20  }
0xa5: {  	s4 =	ssub.s32 $0x0, s20;
	[sflag:s22] =	ssyncset.done $0x0  }
0xa6: {  	[sflag:s22] =	ssyncadd.s32 s4;
	_ =	sdelay $0x1  }
0xa7: {  	s23 =	simm.s32 $0x1B8B  }
0xa8: {  	_ =	swait.ge [sflag:s23], $0x1  }
0xa9: {  	[sflag:s23] =	ssyncset.done $0x0  }
0xaa: {  	s25 =	simm.s32 $0x1B8E;
	s24 =	sld [smem:$0x3FFE];
	[sflag:s23] =	ssyncadd.s32 $0xFFFFFFFF  }
0xab: {  	s26 =	simm.s32 $execute0_lowered;
	[smem:$0x3FD2] =	sst s25  }
0xac: {  	s5 =	sshll.u32 s26, $0x1;
	_ =	strace $0x80000046;
	[dreg:$0x1] =	wrdreg $0xFFFFFFFF  }
0xad: {  	s28 =	simm.s32 $_size_execute0_lowered;
	s3 =	sadd.s32 s3, s5;
	[dreg:$0x0] =	wrdreg $0x0  }
0xae: {  	s5 =	sshll.u32 s28, $0x1;
	[dreg:$0x2] =	wrdreg s3  }
0xaf: {  	[dreg:$0x3] =	wrdreg s5  }
0xb0: {  	[dreg:$0x4] =	wrdreg $0xC0  }
0xb1: {  	_ =	task [dreg:s7], $0x5FFFF  }
0xb2: {  	[dreg:$0x1] =	wrdreg $0xFFFFFFFF  }
0xb3: {  	[dreg:$0x0] =	wrdreg $0x60  }
0xb4: {  	[dreg:$0x2] =	wrdreg s16  }
0xb5: {  	[dreg:$0x3] =	wrdreg s24  }
0xb6: {  	[dreg:$0x4] =	wrdreg $0x9  }
0xb7: {  	_ =	task.clear_ibuf [dreg:s7], $0x5FFFF;
	_ =	strace $0x90000046  }
0xb8: {  	s29 =	simm.s32 $0x9;
	_ =	strace $0x80000048  }
0xb9: {  	_ =	swait.ge [sflag:s29], $0x1  }
0xba: {  	[sflag:s29] =	ssyncadd.s32 $0xFFFFFFFF  }
0xbb: {  	_ =	strace $0x90000048  }
0xbc: {  	_ =	sfence  }
0xbd: {  	s30 =	sld [smem:$0x0];
	_ =	sdelay $0x2  }
0xbe: {  	s31 =	sshll.u32 s1, $0xD;
	s1 =	sshrl.u32 s1, $0x2  }
0xbf: {  	s3 =	sand.u32 $0x4000, s31;
	s1 =	sadd.s32 s1, s30  }
0xc0: {  	s0 =	sor.u32 s3, s0;
	s1 =	sshll.u32 s1, $0x11  }
0xc1: {  	s0 =	sor.u32 s1, s0  }
0xc2: {  	s0 =	sadd.s32 $0x8F2B, s0  }
0xc3: {  	[sflag:s0] =	ssyncadd.remote.s32 $0x1  }
0xc4: {  	_ =	sfence.sel $0xFFFF  }
0xc5: {  	[dreg:$0x0] =	wrdreg $0xFFFFFFFF;
	(pc) =	sbr.abs _section_cstart, $3  }
0xc6: {  	[dreg:$0x1] =	wrdreg $0xFFFFFFFF  }
0xc7: {  	_ =	task.clear_ibuf [dreg:s7], $0x2FFFF;
	_ =	strace $0x9FFFFFFF  }
0xc8: {  	(tm) =	ssettm $0x7FFFFFFF  }
0xc9: {  	_ =	shalt  }
tec
execute0_lowered:
.L_overlay_start_1:
0x0: {  	(tag) =	ssettag $0x1  }
0x1: {  	s0 =	srdreg.scid;
	s1 =	rddreg [dreg:$0x0]  }
0x2: {  	s2 =	stileid.u32;
	s3 =	rddreg [dreg:$0x1];
	s6 =	simm.s32 $0x2  }
0x3: {  	s15 =	simm.s32 $0xA00;
	s16 =	simm.s32 $0x1200;
	s17 =	simm.s32 $0x1A00  }
0x4: {  	s18 =	simm.s32 $0x2200;
	s19 =	simm.s32 $0x2A00;
	s20 =	simm.s32 $0x3200  }
0x5: {  	s21 =	simm.s32 $0x3A00;
	s28 =	simm.s32 $0x5A00;
	s29 =	simm.s32 $0x6200  }
0x6: {  	s30 =	simm.s32 $0x6A00;
	s31 =	simm.s32 $0x7200;
	s8 =	simm.s32 $0x9A00  }
0x7: {  	s9 =	simm.s32 $0xA200;
	s10 =	simm.s32 $0xAA00;
	s11 =	simm.s32 $0xB200  }
0x8: {  	s0 =	sand.u32 $0x1, s0;
	s4 =	sshll.u32 s2, $0xA;
	s2 =	simm.s32 $0x0  }
0x9: {  	s12 =	simm.s32 $0xBA00;
	s5 =	sshll.u32 s0, $0x9;
	[smem:$0x7FF] =	sst s2  }
0xa: {  	s0 =	ssub.s32 $0x2, s0;
	s4 =	sor.u32 s5, s4;
	_ =	strace $0x80000047  }
0xb: {  	s25 =	sshrl.u32 s0, $0x1;
	s5 =	sshll.u32 s4, $0x5;
	s4 =	sshrl.u32 s4, $0x3  }
0xc: {  	s0 =	ssub.s32 s0, s25;
	s5 =	sadd.s32 s5, s3;
	s1 =	sadd.s32 s1, s4  }
0xd: {  	s25 =	simm.s32 $0x4A00;
	[dreg:$0x3] =	wrdreg s1;
	s22 =	sadd.s32 $0x40E00, s5  }
0xe: {  	s3 =	sadd.s32 $0xE00, s3;
	s23 =	sadd.s32 $0x41E00, s5;
	[dreg:$0x4] =	wrdreg s22  }
0xf: {  	s4 =	smax.u32 s0, $0x1;
	s24 =	sadd.s32 $0x42E00, s5;
	[dreg:$0x5] =	wrdreg s23  }
0x10: {  	v2 =	vlaneseq.u32;
	s26 =	sadd.s32 $0x43E00, s5;
	s5 =	simm.s32 $0x3;
	[dreg:$0x6] =	wrdreg s24  }
0x11: {  	vm0 =	vmmov $0xffff;
	v1 =	vshrl.u32 v2, $0x3;
	s1 =	simm.s32 $0x7A00;
	[dreg:$0x7] =	wrdreg s26;
	s24 =	simm.s32 $0x4200  }
0x12: {  	v0 =	vand.u32 $0x7, v2;
	v2 =	vor.u32 $0x8, v2;
	v1 =	vmul.u32 $0x8, v1;
	s26 =	simm.s32 $0x5200;
	s22 =	simm.s32 $0x8200;
	s23 =	simm.s32 $0xCA00  }
.LBB2_1:
0x13: {  	s14 =	rddreg [dreg:$0x3]  }
0x14: {  	[tilespmem:s2], [sflag:$0x3] =	stream.linear.gather [hbm4b:s14+s2], $0x200, $0x38;
	[tilespmem:$0x10200] =	vst v63  }
0x15: {  	_ =	swait.ge [sflag:s5], $0x200  }
0x16: {  	[sflag:s5] =	ssyncset.done $0x0  }
0x17: {  	[sflag:s5] =	ssyncadd.s32 $0xFFFFFE00  }
0x18: {  	v3 =	vld [tilespmem:$0x0];
	_ =	sdelay $0x4  }
0x19: {  	v4 =	vshll.u32 v3, $0x1  }
0x1a: {  	v3 =	vand.u32 $0x7, v3;
	v4 =	vand.u32 $0xFFFFFFF0, v4  }
0x1b: {  	v3 =	vor.u32 v3, v4  }
0x1c: {  	v4 =	vperm.xlane v3, v0;
	_ =	sdelay $0x1  }
0x1d: {  	v3 =	vperm.xlane v3, v2;
	v4 =	vadd.s32 v1, v4;
	_ =	sdelay $0x1  }
0x1e: {  	v3 =	vadd.s32 v1, v3;
	_ =	sdelay $0x1  }
0x1f: {  	s0 =	simm.s32 $0x200  }
0x20: {  	[tilespmem:s0], [sflag:$0x1] =	stream.indirect_vreg.gather [hbm4b:s3+s2], $0x80, v4, vm0, $0xb8;
	[tilespmem:$0x10200] =	vst v63  }
0x21: {  	_ = 	snop  }
0x22: {  	[tilespmem:s15], [sflag:$0x1] =	stream.indirect_vreg.gather [hbm4b:s3+s2], $0x80, v3, vm0, $0xb8;
	[tilespmem:$0x10200] =	vst v63  }
0x23: {  	v3 =	vld [tilespmem:$0x10];
	_ =	sdelay $0x4  }
0x24: {  	v33 =	vshll.u32 v3, $0x1  }
0x25: {  	v3 =	vand.u32 $0x7, v3;
	v4 =	vand.u32 $0xFFFFFFF0, v33  }
0x26: {  	v3 =	vor.u32 v3, v4  }
0x27: {  	v4 =	vperm.xlane v3, v0;
	_ =	sdelay $0x1  }
0x28: {  	v3 =	vperm.xlane v3, v2;
	v4 =	vadd.s32 v1, v4;
	_ =	sdelay $0x1  }
0x29: {  	v3 =	vadd.s32 v1, v3;
	_ =	sdelay $0x2  }
0x2a: {  	[tilespmem:s16], [sflag:$0x1] =	stream.indirect_vreg.gather [hbm4b:s3+s2], $0x80, v4, vm0, $0xb8;
	[tilespmem:$0x10200] =	vst v63  }
0x2b: {  	_ = 	snop  }
0x2c: {  	[tilespmem:s17], [sflag:$0x1] =	stream.indirect_vreg.gather [hbm4b:s3+s2], $0x80, v3, vm0, $0xb8;
	[tilespmem:$0x10200] =	vst v63  }
0x2d: {  	v3 =	vld [tilespmem:$0x20];
	_ =	sdelay $0x4  }
0x2e: {  	v34 =	vshll.u32 v3, $0x1  }
0x2f: {  	v3 =	vand.u32 $0x7, v3;
	v4 =	vand.u32 $0xFFFFFFF0, v34  }
0x30: {  	v3 =	vor.u32 v3, v4  }
0x31: {  	v4 =	vperm.xlane v3, v0;
	_ =	sdelay $0x1  }
0x32: {  	v3 =	vperm.xlane v3, v2;
	v4 =	vadd.s32 v1, v4;
	_ =	sdelay $0x1  }
0x33: {  	v3 =	vadd.s32 v1, v3;
	_ =	sdelay $0x2  }
0x34: {  	[tilespmem:s18], [sflag:$0x1] =	stream.indirect_vreg.gather [hbm4b:s3+s2], $0x80, v4, vm0, $0xb8;
	[tilespmem:$0x10200] =	vst v63  }
0x35: {  	_ = 	snop  }
0x36: {  	[tilespmem:s19], [sflag:$0x1] =	stream.indirect_vreg.gather [hbm4b:s3+s2], $0x80, v3, vm0, $0xb8;
	[tilespmem:$0x10200] =	vst v63  }
0x37: {  	v3 =	vld [tilespmem:$0x30];
	_ =	sdelay $0x4  }
0x38: {  	v35 =	vshll.u32 v3, $0x1  }
0x39: {  	v3 =	vand.u32 $0x7, v3;
	v4 =	vand.u32 $0xFFFFFFF0, v35  }
0x3a: {  	v3 =	vor.u32 v3, v4  }
0x3b: {  	v4 =	vperm.xlane v3, v0;
	_ =	sdelay $0x1  }
0x3c: {  	v3 =	vperm.xlane v3, v2;
	v4 =	vadd.s32 v1, v4;
	_ =	sdelay $0x1  }
0x3d: {  	v3 =	vadd.s32 v1, v3;
	_ =	sdelay $0x2  }
0x3e: {  	[tilespmem:s20], [sflag:$0x1] =	stream.indirect_vreg.gather [hbm4b:s3+s2], $0x80, v4, vm0, $0xb8;
	[tilespmem:$0x10200] =	vst v63  }
0x3f: {  	_ = 	snop  }
0x40: {  	[tilespmem:s21], [sflag:$0x1] =	stream.indirect_vreg.gather [hbm4b:s3+s2], $0x80, v3, vm0, $0xb8;
	[tilespmem:$0x10200] =	vst v63  }
0x41: {  	v3 =	vld [tilespmem:$0x40];
	_ =	sdelay $0x4  }
0x42: {  	v36 =	vshll.u32 v3, $0x1  }
0x43: {  	v3 =	vand.u32 $0x7, v3;
	v4 =	vand.u32 $0xFFFFFFF0, v36  }
0x44: {  	v3 =	vor.u32 v3, v4  }
0x45: {  	v4 =	vperm.xlane v3, v0;
	_ =	sdelay $0x1  }
0x46: {  	v3 =	vperm.xlane v3, v2;
	v4 =	vadd.s32 v1, v4;
	_ =	sdelay $0x1  }
0x47: {  	v3 =	vadd.s32 v1, v3;
	_ =	sdelay $0x2  }
0x48: {  	[tilespmem:s24], [sflag:$0x1] =	stream.indirect_vreg.gather [hbm4b:s3+s2], $0x80, v4, vm0, $0xb8;
	[tilespmem:$0x10200] =	vst v63  }
0x49: {  	_ = 	snop  }
0x4a: {  	[tilespmem:s25], [sflag:$0x1] =	stream.indirect_vreg.gather [hbm4b:s3+s2], $0x80, v3, vm0, $0xb8;
	[tilespmem:$0x10200] =	vst v63  }
0x4b: {  	v3 =	vld [tilespmem:$0x50];
	_ =	sdelay $0x4  }
0x4c: {  	v37 =	vshll.u32 v3, $0x1  }
0x4d: {  	v3 =	vand.u32 $0x7, v3;
	v4 =	vand.u32 $0xFFFFFFF0, v37  }
0x4e: {  	v3 =	vor.u32 v3, v4  }
0x4f: {  	v4 =	vperm.xlane v3, v0;
	_ =	sdelay $0x1  }
0x50: {  	v3 =	vperm.xlane v3, v2;
	v4 =	vadd.s32 v1, v4;
	_ =	sdelay $0x1  }
0x51: {  	v3 =	vadd.s32 v1, v3;
	_ =	sdelay $0x2  }
0x52: {  	[tilespmem:s26], [sflag:$0x1] =	stream.indirect_vreg.gather [hbm4b:s3+s2], $0x80, v4, vm0, $0xb8;
	[tilespmem:$0x10200] =	vst v63  }
0x53: {  	_ = 	snop  }
0x54: {  	[tilespmem:s28], [sflag:$0x1] =	stream.indirect_vreg.gather [hbm4b:s3+s2], $0x80, v3, vm0, $0xb8;
	[tilespmem:$0x10200] =	vst v63  }
0x55: {  	v3 =	vld [tilespmem:$0x60];
	_ =	sdelay $0x4  }
0x56: {  	v38 =	vshll.u32 v3, $0x1  }
0x57: {  	v3 =	vand.u32 $0x7, v3;
	v4 =	vand.u32 $0xFFFFFFF0, v38  }
0x58: {  	v3 =	vor.u32 v3, v4  }
0x59: {  	v4 =	vperm.xlane v3, v0;
	_ =	sdelay $0x1  }
0x5a: {  	v3 =	vperm.xlane v3, v2;
	v4 =	vadd.s32 v1, v4;
	_ =	sdelay $0x1  }
0x5b: {  	v3 =	vadd.s32 v1, v3;
	_ =	sdelay $0x2  }
0x5c: {  	[tilespmem:s29], [sflag:$0x1] =	stream.indirect_vreg.gather [hbm4b:s3+s2], $0x80, v4, vm0, $0xb8;
	[tilespmem:$0x10200] =	vst v63  }
0x5d: {  	_ = 	snop  }
0x5e: {  	[tilespmem:s30], [sflag:$0x1] =	stream.indirect_vreg.gather [hbm4b:s3+s2], $0x80, v3, vm0, $0xb8;
	[tilespmem:$0x10200] =	vst v63  }
0x5f: {  	v3 =	vld [tilespmem:$0x70];
	_ =	sdelay $0x4  }
0x60: {  	v39 =	vshll.u32 v3, $0x1  }
0x61: {  	v3 =	vand.u32 $0x7, v3;
	v4 =	vand.u32 $0xFFFFFFF0, v39  }
0x62: {  	v3 =	vor.u32 v3, v4  }
0x63: {  	v4 =	vperm.xlane v3, v0;
	_ =	sdelay $0x1  }
0x64: {  	v3 =	vperm.xlane v3, v2;
	v4 =	vadd.s32 v1, v4;
	_ =	sdelay $0x1  }
0x65: {  	v3 =	vadd.s32 v1, v3;
	_ =	sdelay $0x2  }
0x66: {  	[tilespmem:s31], [sflag:$0x1] =	stream.indirect_vreg.gather [hbm4b:s3+s2], $0x80, v4, vm0, $0xb8;
	[tilespmem:$0x10200] =	vst v63  }
0x67: {  	s0 =	simm.s32 $0x1  }
0x68: {  	[tilespmem:s1], [sflag:$0x1] =	stream.indirect_vreg.gather [hbm4b:s3+s2], $0x80, v3, vm0, $0xb8;
	[tilespmem:$0x10200] =	vst v63  }
0x69: {  	_ =	swait.ge [sflag:s0], $0x8000  }
0x6a: {  	[sflag:s0] =	ssyncset.done $0x0  }
0x6b: {  	[sflag:s0] =	ssyncadd.s32 $0xFFFF8000  }
0x6c: {  	v3 =	vld [tilespmem:$0x80];
	_ =	sdelay $0x4  }
0x6d: {  	v40 =	vshll.u32 v3, $0x1  }
0x6e: {  	v3 =	vand.u32 $0x7, v3;
	v4 =	vand.u32 $0xFFFFFFF0, v40  }
0x6f: {  	v3 =	vor.u32 v3, v4  }
0x70: {  	v4 =	vperm.xlane v3, v0;
	_ =	sdelay $0x1  }
0x71: {  	v3 =	vperm.xlane v3, v2;
	v4 =	vadd.s32 v1, v4;
	_ =	sdelay $0x1  }
0x72: {  	v3 =	vadd.s32 v1, v3;
	_ =	sdelay $0x2  }
0x73: {  	[tilespmem:s22], [sflag:$0x2] =	stream.indirect_vreg.gather [hbm4b:s3+s2], $0x80, v4, vm0, $0xb8;
	[tilespmem:$0x10200] =	vst v63  }
0x74: {  	s7 =	simm.s32 $0x8A00  }
0x75: {  	[tilespmem:s7], [sflag:$0x2] =	stream.indirect_vreg.gather [hbm4b:s3+s2], $0x80, v3, vm0, $0xb8;
	[tilespmem:$0x10200] =	vst v63  }
0x76: {  	v3 =	vld [tilespmem:$0x90];
	_ =	sdelay $0x4  }
0x77: {  	v41 =	vshll.u32 v3, $0x1  }
0x78: {  	v3 =	vand.u32 $0x7, v3;
	v4 =	vand.u32 $0xFFFFFFF0, v41  }
0x79: {  	v3 =	vor.u32 v3, v4  }
0x7a: {  	v4 =	vperm.xlane v3, v0;
	_ =	sdelay $0x1  }
0x7b: {  	v3 =	vperm.xlane v3, v2;
	v4 =	vadd.s32 v1, v4;
	_ =	sdelay $0x1  }
0x7c: {  	v3 =	vadd.s32 v1, v3;
	_ =	sdelay $0x1  }
0x7d: {  	s7 =	simm.s32 $0x9200  }
0x7e: {  	[tilespmem:s7], [sflag:$0x2] =	stream.indirect_vreg.gather [hbm4b:s3+s2], $0x80, v4, vm0, $0xb8;
	[tilespmem:$0x10200] =	vst v63  }
0x7f: {  	_ = 	snop  }
0x80: {  	[tilespmem:s8], [sflag:$0x2] =	stream.indirect_vreg.gather [hbm4b:s3+s2], $0x80, v3, vm0, $0xb8;
	[tilespmem:$0x10200] =	vst v63  }
0x81: {  	v3 =	vld [tilespmem:$0xA0];
	_ =	sdelay $0x4  }
0x82: {  	v42 =	vshll.u32 v3, $0x1  }
0x83: {  	v3 =	vand.u32 $0x7, v3;
	v4 =	vand.u32 $0xFFFFFFF0, v42  }
0x84: {  	v3 =	vor.u32 v3, v4  }
0x85: {  	v4 =	vperm.xlane v3, v0;
	_ =	sdelay $0x1  }
0x86: {  	v3 =	vperm.xlane v3, v2;
	v4 =	vadd.s32 v1, v4;
	_ =	sdelay $0x1  }
0x87: {  	v3 =	vadd.s32 v1, v3;
	_ =	sdelay $0x2  }
0x88: {  	[tilespmem:s9], [sflag:$0x2] =	stream.indirect_vreg.gather [hbm4b:s3+s2], $0x80, v4, vm0, $0xb8;
	[tilespmem:$0x10200] =	vst v63  }
0x89: {  	_ = 	snop  }
0x8a: {  	[tilespmem:s10], [sflag:$0x2] =	stream.indirect_vreg.gather [hbm4b:s3+s2], $0x80, v3, vm0, $0xb8;
	[tilespmem:$0x10200] =	vst v63  }
0x8b: {  	v3 =	vld [tilespmem:$0xB0];
	_ =	sdelay $0x4  }
0x8c: {  	v43 =	vshll.u32 v3, $0x1  }
0x8d: {  	v3 =	vand.u32 $0x7, v3;
	v4 =	vand.u32 $0xFFFFFFF0, v43  }
0x8e: {  	v3 =	vor.u32 v3, v4  }
0x8f: {  	v4 =	vperm.xlane v3, v0;
	_ =	sdelay $0x1  }
0x90: {  	v3 =	vperm.xlane v3, v2;
	v4 =	vadd.s32 v1, v4;
	_ =	sdelay $0x1  }
0x91: {  	v3 =	vadd.s32 v1, v3;
	_ =	sdelay $0x2  }
0x92: {  	[tilespmem:s11], [sflag:$0x2] =	stream.indirect_vreg.gather [hbm4b:s3+s2], $0x80, v4, vm0, $0xb8;
	[tilespmem:$0x10200] =	vst v63  }
0x93: {  	_ = 	snop  }
0x94: {  	[tilespmem:s12], [sflag:$0x2] =	stream.indirect_vreg.gather [hbm4b:s3+s2], $0x80, v3, vm0, $0xb8;
	[tilespmem:$0x10200] =	vst v63  }
0x95: {  	v3 =	vld [tilespmem:$0xC0];
	_ =	sdelay $0x4  }
0x96: {  	v44 =	vshll.u32 v3, $0x1  }
0x97: {  	v3 =	vand.u32 $0x7, v3;
	v4 =	vand.u32 $0xFFFFFFF0, v44  }
0x98: {  	v3 =	vor.u32 v3, v4  }
0x99: {  	v4 =	vperm.xlane v3, v0;
	_ =	sdelay $0x1  }
0x9a: {  	v3 =	vperm.xlane v3, v2;
	v4 =	vadd.s32 v1, v4;
	_ =	sdelay $0x1  }
0x9b: {  	v3 =	vadd.s32 v1, v3;
	_ =	sdelay $0x1  }
0x9c: {  	s13 =	simm.s32 $0xC200  }
0x9d: {  	[tilespmem:s13], [sflag:$0x2] =	stream.indirect_vreg.gather [hbm4b:s3+s2], $0x80, v4, vm0, $0xb8;
	[tilespmem:$0x10200] =	vst v63  }
0x9e: {  	_ = 	snop  }
0x9f: {  	[tilespmem:s23], [sflag:$0x2] =	stream.indirect_vreg.gather [hbm4b:s3+s2], $0x80, v3, vm0, $0xb8;
	[tilespmem:$0x10200] =	vst v63  }
0xa0: {  	v3 =	vld [tilespmem:$0xD0];
	_ =	sdelay $0x4  }
0xa1: {  	v45 =	vshll.u32 v3, $0x1  }
0xa2: {  	v3 =	vand.u32 $0x7, v3;
	v4 =	vand.u32 $0xFFFFFFF0, v45  }
0xa3: {  	v3 =	vor.u32 v3, v4  }
0xa4: {  	v4 =	vperm.xlane v3, v0;
	_ =	sdelay $0x1  }
0xa5: {  	v3 =	vperm.xlane v3, v2;
	v4 =	vadd.s32 v1, v4;
	_ =	sdelay $0x1  }
0xa6: {  	v3 =	vadd.s32 v1, v3;
	_ =	sdelay $0x1  }
0xa7: {  	s14 =	simm.s32 $0xD200  }
0xa8: {  	[tilespmem:s14], [sflag:$0x2] =	stream.indirect_vreg.gather [hbm4b:s3+s2], $0x80, v4, vm0, $0xb8;
	[tilespmem:$0x10200] =	vst v63  }
0xa9: {  	s14 =	simm.s32 $0xDA00  }
0xaa: {  	[tilespmem:s14], [sflag:$0x2] =	stream.indirect_vreg.gather [hbm4b:s3+s2], $0x80, v3, vm0, $0xb8;
	[tilespmem:$0x10200] =	vst v63  }
0xab: {  	v3 =	vld [tilespmem:$0xE0];
	_ =	sdelay $0x4  }
0xac: {  	v46 =	vshll.u32 v3, $0x1  }
0xad: {  	v3 =	vand.u32 $0x7, v3;
	v4 =	vand.u32 $0xFFFFFFF0, v46  }
0xae: {  	v3 =	vor.u32 v3, v4  }
0xaf: {  	v4 =	vperm.xlane v3, v0;
	_ =	sdelay $0x1  }
0xb0: {  	v3 =	vperm.xlane v3, v2;
	v4 =	vadd.s32 v1, v4;
	_ =	sdelay $0x1  }
0xb1: {  	v3 =	vadd.s32 v1, v3;
	_ =	sdelay $0x1  }
0xb2: {  	s14 =	simm.s32 $0xE200  }
0xb3: {  	[tilespmem:s14], [sflag:$0x2] =	stream.indirect_vreg.gather [hbm4b:s3+s2], $0x80, v4, vm0, $0xb8;
	[tilespmem:$0x10200] =	vst v63  }
0xb4: {  	s14 =	simm.s32 $0xEA00  }
0xb5: {  	[tilespmem:s14], [sflag:$0x2] =	stream.indirect_vreg.gather [hbm4b:s3+s2], $0x80, v3, vm0, $0xb8;
	[tilespmem:$0x10200] =	vst v63  }
0xb6: {  	v3 =	vld [tilespmem:$0xF0];
	_ =	sdelay $0x4  }
0xb7: {  	v47 =	vshll.u32 v3, $0x1  }
0xb8: {  	v3 =	vand.u32 $0x7, v3;
	v4 =	vand.u32 $0xFFFFFFF0, v47  }
0xb9: {  	v3 =	vor.u32 v3, v4  }
0xba: {  	v4 =	vperm.xlane v3, v0;
	_ =	sdelay $0x1  }
0xbb: {  	v3 =	vperm.xlane v3, v2;
	v4 =	vadd.s32 v1, v4;
	_ =	sdelay $0x1  }
0xbc: {  	v3 =	vadd.s32 v1, v3;
	_ =	sdelay $0x1  }
0xbd: {  	s14 =	simm.s32 $0xF200  }
0xbe: {  	[tilespmem:s14], [sflag:$0x2] =	stream.indirect_vreg.gather [hbm4b:s3+s2], $0x80, v4, vm0, $0xb8;
	[tilespmem:$0x10200] =	vst v63  }
0xbf: {  	s13 =	simm.s32 $0xFA00  }
0xc0: {  	[tilespmem:s13], [sflag:$0x2] =	stream.indirect_vreg.gather [hbm4b:s3+s2], $0x80, v3, vm0, $0xb8;
	[tilespmem:$0x10200] =	vst v63  }
0xc1: {  	s14 =	rddreg [dreg:$0x4];
	s13 =	simm.s32 $0x200  }
0xc2: {  	[hbm4b:s14+s2] =	stream.linear.scatter [tilespmem:s13], [sflag:$0x3], $0x8000, $0x38;
	[tilespmem:$0x10200] =	vst v63  }
0xc3: {  	_ =	swait.ge [sflag:s5], $0x8000  }
0xc4: {  	[sflag:s5] =	ssyncset.done $0x0  }
0xc5: {  	[sflag:s5] =	ssyncadd.s32 $0xFFFF8000  }
0xc6: {  	_ =	swait.ge [sflag:s6], $0x8000  }
0xc7: {  	[sflag:s6] =	ssyncset.done $0x0  }
0xc8: {  	[sflag:s6] =	ssyncadd.s32 $0xFFFF8000  }
0xc9: {  	v3 =	vld [tilespmem:$0x100];
	_ =	sdelay $0x4  }
0xca: {  	v48 =	vshll.u32 v3, $0x1  }
0xcb: {  	v3 =	vand.u32 $0x7, v3;
	v4 =	vand.u32 $0xFFFFFFF0, v48  }
0xcc: {  	v3 =	vor.u32 v3, v4  }
0xcd: {  	v4 =	vperm.xlane v3, v0;
	_ =	sdelay $0x1  }
0xce: {  	v3 =	vperm.xlane v3, v2;
	v4 =	vadd.s32 v1, v4;
	_ =	sdelay $0x1  }
0xcf: {  	v3 =	vadd.s32 v1, v3;
	_ =	sdelay $0x2  }
0xd0: {  	[tilespmem:s13], [sflag:$0x1] =	stream.indirect_vreg.gather [hbm4b:s3+s2], $0x80, v4, vm0, $0xb8;
	[tilespmem:$0x10200] =	vst v63  }
0xd1: {  	_ = 	snop  }
0xd2: {  	[tilespmem:s15], [sflag:$0x1] =	stream.indirect_vreg.gather [hbm4b:s3+s2], $0x80, v3, vm0, $0xb8;
	[tilespmem:$0x10200] =	vst v63  }
0xd3: {  	v3 =	vld [tilespmem:$0x110];
	_ =	sdelay $0x4  }
0xd4: {  	v49 =	vshll.u32 v3, $0x1  }
0xd5: {  	v3 =	vand.u32 $0x7, v3;
	v4 =	vand.u32 $0xFFFFFFF0, v49  }
0xd6: {  	v3 =	vor.u32 v3, v4  }
0xd7: {  	v4 =	vperm.xlane v3, v0;
	_ =	sdelay $0x1  }
0xd8: {  	v3 =	vperm.xlane v3, v2;
	v4 =	vadd.s32 v1, v4;
	_ =	sdelay $0x1  }
0xd9: {  	v3 =	vadd.s32 v1, v3;
	_ =	sdelay $0x2  }
0xda: {  	[tilespmem:s16], [sflag:$0x1] =	stream.indirect_vreg.gather [hbm4b:s3+s2], $0x80, v4, vm0, $0xb8;
	[tilespmem:$0x10200] =	vst v63  }
0xdb: {  	_ = 	snop  }
0xdc: {  	[tilespmem:s17], [sflag:$0x1] =	stream.indirect_vreg.gather [hbm4b:s3+s2], $0x80, v3, vm0, $0xb8;
	[tilespmem:$0x10200] =	vst v63  }
0xdd: {  	v3 =	vld [tilespmem:$0x120];
	_ =	sdelay $0x4  }
0xde: {  	v50 =	vshll.u32 v3, $0x1  }
0xdf: {  	v3 =	vand.u32 $0x7, v3;
	v4 =	vand.u32 $0xFFFFFFF0, v50  }
0xe0: {  	v3 =	vor.u32 v3, v4  }
0xe1: {  	v4 =	vperm.xlane v3, v0;
	_ =	sdelay $0x1  }
0xe2: {  	v3 =	vperm.xlane v3, v2;
	v4 =	vadd.s32 v1, v4;
	_ =	sdelay $0x1  }
0xe3: {  	v3 =	vadd.s32 v1, v3;
	_ =	sdelay $0x2  }
0xe4: {  	[tilespmem:s18], [sflag:$0x1] =	stream.indirect_vreg.gather [hbm4b:s3+s2], $0x80, v4, vm0, $0xb8;
	[tilespmem:$0x10200] =	vst v63  }
0xe5: {  	_ = 	snop  }
0xe6: {  	[tilespmem:s19], [sflag:$0x1] =	stream.indirect_vreg.gather [hbm4b:s3+s2], $0x80, v3, vm0, $0xb8;
	[tilespmem:$0x10200] =	vst v63  }
0xe7: {  	v3 =	vld [tilespmem:$0x130];
	_ =	sdelay $0x4  }
0xe8: {  	v51 =	vshll.u32 v3, $0x1  }
0xe9: {  	v3 =	vand.u32 $0x7, v3;
	v4 =	vand.u32 $0xFFFFFFF0, v51  }
0xea: {  	v3 =	vor.u32 v3, v4  }
0xeb: {  	v4 =	vperm.xlane v3, v0;
	_ =	sdelay $0x1  }
0xec: {  	v3 =	vperm.xlane v3, v2;
	v4 =	vadd.s32 v1, v4;
	_ =	sdelay $0x1  }
0xed: {  	v3 =	vadd.s32 v1, v3;
	_ =	sdelay $0x2  }
0xee: {  	[tilespmem:s20], [sflag:$0x1] =	stream.indirect_vreg.gather [hbm4b:s3+s2], $0x80, v4, vm0, $0xb8;
	[tilespmem:$0x10200] =	vst v63  }
0xef: {  	_ = 	snop  }
0xf0: {  	[tilespmem:s21], [sflag:$0x1] =	stream.indirect_vreg.gather [hbm4b:s3+s2], $0x80, v3, vm0, $0xb8;
	[tilespmem:$0x10200] =	vst v63  }
0xf1: {  	v3 =	vld [tilespmem:$0x140];
	_ =	sdelay $0x4  }
0xf2: {  	v52 =	vshll.u32 v3, $0x1  }
0xf3: {  	v3 =	vand.u32 $0x7, v3;
	v4 =	vand.u32 $0xFFFFFFF0, v52  }
0xf4: {  	v3 =	vor.u32 v3, v4  }
0xf5: {  	v4 =	vperm.xlane v3, v0;
	_ =	sdelay $0x1  }
0xf6: {  	v3 =	vperm.xlane v3, v2;
	v4 =	vadd.s32 v1, v4;
	_ =	sdelay $0x1  }
0xf7: {  	v3 =	vadd.s32 v1, v3;
	_ =	sdelay $0x2  }
0xf8: {  	[tilespmem:s24], [sflag:$0x1] =	stream.indirect_vreg.gather [hbm4b:s3+s2], $0x80, v4, vm0, $0xb8;
	[tilespmem:$0x10200] =	vst v63  }
0xf9: {  	_ = 	snop  }
0xfa: {  	[tilespmem:s25], [sflag:$0x1] =	stream.indirect_vreg.gather [hbm4b:s3+s2], $0x80, v3, vm0, $0xb8;
	[tilespmem:$0x10200] =	vst v63  }
0xfb: {  	v3 =	vld [tilespmem:$0x150];
	_ =	sdelay $0x4  }
0xfc: {  	v53 =	vshll.u32 v3, $0x1  }
0xfd: {  	v3 =	vand.u32 $0x7, v3;
	v4 =	vand.u32 $0xFFFFFFF0, v53  }
0xfe: {  	v3 =	vor.u32 v3, v4  }
0xff: {  	v4 =	vperm.xlane v3, v0;
	_ =	sdelay $0x1  }
0x100: {  	v3 =	vperm.xlane v3, v2;
	v4 =	vadd.s32 v1, v4;
	_ =	sdelay $0x1  }
0x101: {  	v3 =	vadd.s32 v1, v3;
	_ =	sdelay $0x2  }
0x102: {  	[tilespmem:s26], [sflag:$0x1] =	stream.indirect_vreg.gather [hbm4b:s3+s2], $0x80, v4, vm0, $0xb8;
	[tilespmem:$0x10200] =	vst v63  }
0x103: {  	_ = 	snop  }
0x104: {  	[tilespmem:s28], [sflag:$0x1] =	stream.indirect_vreg.gather [hbm4b:s3+s2], $0x80, v3, vm0, $0xb8;
	[tilespmem:$0x10200] =	vst v63  }
0x105: {  	v3 =	vld [tilespmem:$0x160];
	_ =	sdelay $0x4  }
0x106: {  	v54 =	vshll.u32 v3, $0x1  }
0x107: {  	v3 =	vand.u32 $0x7, v3;
	v4 =	vand.u32 $0xFFFFFFF0, v54  }
0x108: {  	v3 =	vor.u32 v3, v4  }
0x109: {  	v4 =	vperm.xlane v3, v0;
	_ =	sdelay $0x1  }
0x10a: {  	v3 =	vperm.xlane v3, v2;
	v4 =	vadd.s32 v1, v4;
	_ =	sdelay $0x1  }
0x10b: {  	v3 =	vadd.s32 v1, v3;
	_ =	sdelay $0x2  }
0x10c: {  	[tilespmem:s29], [sflag:$0x1] =	stream.indirect_vreg.gather [hbm4b:s3+s2], $0x80, v4, vm0, $0xb8;
	[tilespmem:$0x10200] =	vst v63  }
0x10d: {  	_ = 	snop  }
0x10e: {  	[tilespmem:s30], [sflag:$0x1] =	stream.indirect_vreg.gather [hbm4b:s3+s2], $0x80, v3, vm0, $0xb8;
	[tilespmem:$0x10200] =	vst v63  }
0x10f: {  	v3 =	vld [tilespmem:$0x170];
	_ =	sdelay $0x4  }
0x110: {  	v55 =	vshll.u32 v3, $0x1  }
0x111: {  	v3 =	vand.u32 $0x7, v3;
	v4 =	vand.u32 $0xFFFFFFF0, v55  }
0x112: {  	v3 =	vor.u32 v3, v4  }
0x113: {  	v4 =	vperm.xlane v3, v0;
	_ =	sdelay $0x1  }
0x114: {  	v3 =	vperm.xlane v3, v2;
	v4 =	vadd.s32 v1, v4;
	_ =	sdelay $0x1  }
0x115: {  	v3 =	vadd.s32 v1, v3;
	_ =	sdelay $0x2  }
0x116: {  	[tilespmem:s31], [sflag:$0x1] =	stream.indirect_vreg.gather [hbm4b:s3+s2], $0x80, v4, vm0, $0xb8;
	[tilespmem:$0x10200] =	vst v63  }
0x117: {  	_ = 	snop  }
0x118: {  	[tilespmem:s1], [sflag:$0x1] =	stream.indirect_vreg.gather [hbm4b:s3+s2], $0x80, v3, vm0, $0xb8;
	[tilespmem:$0x10200] =	vst v63  }
0x119: {  	s14 =	rddreg [dreg:$0x5]  }
0x11a: {  	[hbm4b:s14+s2] =	stream.linear.scatter [tilespmem:s22], [sflag:$0x3], $0x8000, $0x38;
	[tilespmem:$0x10200] =	vst v63  }
0x11b: {  	_ =	swait.ge [sflag:s5], $0x8000  }
0x11c: {  	[sflag:s5] =	ssyncset.done $0x0  }
0x11d: {  	[sflag:s5] =	ssyncadd.s32 $0xFFFF8000  }
0x11e: {  	_ =	swait.ge [sflag:s0], $0x8000  }
0x11f: {  	[sflag:s0] =	ssyncset.done $0x0  }
0x120: {  	[sflag:s0] =	ssyncadd.s32 $0xFFFF8000  }
0x121: {  	v3 =	vld [tilespmem:$0x180];
	_ =	sdelay $0x4  }
0x122: {  	v56 =	vshll.u32 v3, $0x1  }
0x123: {  	v3 =	vand.u32 $0x7, v3;
	v4 =	vand.u32 $0xFFFFFFF0, v56  }
0x124: {  	v3 =	vor.u32 v3, v4  }
0x125: {  	v4 =	vperm.xlane v3, v0;
	_ =	sdelay $0x1  }
0x126: {  	v3 =	vperm.xlane v3, v2;
	v4 =	vadd.s32 v1, v4;
	_ =	sdelay $0x1  }
0x127: {  	v3 =	vadd.s32 v1, v3;
	_ =	sdelay $0x2  }
0x128: {  	[tilespmem:s22], [sflag:$0x2] =	stream.indirect_vreg.gather [hbm4b:s3+s2], $0x80, v4, vm0, $0xb8;
	[tilespmem:$0x10200] =	vst v63  }
0x129: {  	s14 =	simm.s32 $0x8A00  }
0x12a: {  	[tilespmem:s14], [sflag:$0x2] =	stream.indirect_vreg.gather [hbm4b:s3+s2], $0x80, v3, vm0, $0xb8;
	[tilespmem:$0x10200] =	vst v63  }
0x12b: {  	v3 =	vld [tilespmem:$0x190];
	_ =	sdelay $0x4  }
0x12c: {  	v57 =	vshll.u32 v3, $0x1  }
0x12d: {  	v3 =	vand.u32 $0x7, v3;
	v4 =	vand.u32 $0xFFFFFFF0, v57  }
0x12e: {  	v3 =	vor.u32 v3, v4  }
0x12f: {  	v4 =	vperm.xlane v3, v0;
	_ =	sdelay $0x1  }
0x130: {  	v3 =	vperm.xlane v3, v2;
	v4 =	vadd.s32 v1, v4;
	_ =	sdelay $0x1  }
0x131: {  	v3 =	vadd.s32 v1, v3;
	_ =	sdelay $0x2  }
0x132: {  	[tilespmem:s7], [sflag:$0x2] =	stream.indirect_vreg.gather [hbm4b:s3+s2], $0x80, v4, vm0, $0xb8;
	[tilespmem:$0x10200] =	vst v63  }
0x133: {  	_ = 	snop  }
0x134: {  	[tilespmem:s8], [sflag:$0x2] =	stream.indirect_vreg.gather [hbm4b:s3+s2], $0x80, v3, vm0, $0xb8;
	[tilespmem:$0x10200] =	vst v63  }
0x135: {  	v3 =	vld [tilespmem:$0x1A0];
	_ =	sdelay $0x4  }
0x136: {  	v58 =	vshll.u32 v3, $0x1  }
0x137: {  	v3 =	vand.u32 $0x7, v3;
	v4 =	vand.u32 $0xFFFFFFF0, v58  }
0x138: {  	v3 =	vor.u32 v3, v4  }
0x139: {  	v4 =	vperm.xlane v3, v0;
	_ =	sdelay $0x1  }
0x13a: {  	v3 =	vperm.xlane v3, v2;
	v4 =	vadd.s32 v1, v4;
	_ =	sdelay $0x1  }
0x13b: {  	v3 =	vadd.s32 v1, v3;
	_ =	sdelay $0x2  }
0x13c: {  	[tilespmem:s9], [sflag:$0x2] =	stream.indirect_vreg.gather [hbm4b:s3+s2], $0x80, v4, vm0, $0xb8;
	[tilespmem:$0x10200] =	vst v63  }
0x13d: {  	_ = 	snop  }
0x13e: {  	[tilespmem:s10], [sflag:$0x2] =	stream.indirect_vreg.gather [hbm4b:s3+s2], $0x80, v3, vm0, $0xb8;
	[tilespmem:$0x10200] =	vst v63  }
0x13f: {  	v3 =	vld [tilespmem:$0x1B0];
	_ =	sdelay $0x4  }
0x140: {  	v59 =	vshll.u32 v3, $0x1  }
0x141: {  	v3 =	vand.u32 $0x7, v3;
	v4 =	vand.u32 $0xFFFFFFF0, v59  }
0x142: {  	v3 =	vor.u32 v3, v4  }
0x143: {  	v4 =	vperm.xlane v3, v0;
	_ =	sdelay $0x1  }
0x144: {  	v3 =	vperm.xlane v3, v2;
	v4 =	vadd.s32 v1, v4;
	_ =	sdelay $0x1  }
0x145: {  	v3 =	vadd.s32 v1, v3;
	_ =	sdelay $0x2  }
0x146: {  	[tilespmem:s11], [sflag:$0x2] =	stream.indirect_vreg.gather [hbm4b:s3+s2], $0x80, v4, vm0, $0xb8;
	[tilespmem:$0x10200] =	vst v63  }
0x147: {  	_ = 	snop  }
0x148: {  	[tilespmem:s12], [sflag:$0x2] =	stream.indirect_vreg.gather [hbm4b:s3+s2], $0x80, v3, vm0, $0xb8;
	[tilespmem:$0x10200] =	vst v63  }
0x149: {  	v3 =	vld [tilespmem:$0x1C0];
	_ =	sdelay $0x4  }
0x14a: {  	v60 =	vshll.u32 v3, $0x1  }
0x14b: {  	v3 =	vand.u32 $0x7, v3;
	v4 =	vand.u32 $0xFFFFFFF0, v60  }
0x14c: {  	v3 =	vor.u32 v3, v4  }
0x14d: {  	v4 =	vperm.xlane v3, v0;
	_ =	sdelay $0x1  }
0x14e: {  	v3 =	vperm.xlane v3, v2;
	v4 =	vadd.s32 v1, v4;
	_ =	sdelay $0x1  }
0x14f: {  	v3 =	vadd.s32 v1, v3;
	_ =	sdelay $0x1  }
0x150: {  	s7 =	simm.s32 $0xC200  }
0x151: {  	[tilespmem:s7], [sflag:$0x2] =	stream.indirect_vreg.gather [hbm4b:s3+s2], $0x80, v4, vm0, $0xb8;
	[tilespmem:$0x10200] =	vst v63  }
0x152: {  	_ = 	snop  }
0x153: {  	[tilespmem:s23], [sflag:$0x2] =	stream.indirect_vreg.gather [hbm4b:s3+s2], $0x80, v3, vm0, $0xb8;
	[tilespmem:$0x10200] =	vst v63  }
0x154: {  	v3 =	vld [tilespmem:$0x1D0];
	_ =	sdelay $0x4  }
0x155: {  	v61 =	vshll.u32 v3, $0x1  }
0x156: {  	v3 =	vand.u32 $0x7, v3;
	v4 =	vand.u32 $0xFFFFFFF0, v61  }
0x157: {  	v3 =	vor.u32 v3, v4  }
0x158: {  	v4 =	vperm.xlane v3, v0;
	_ =	sdelay $0x1  }
0x159: {  	v3 =	vperm.xlane v3, v2;
	v4 =	vadd.s32 v1, v4;
	_ =	sdelay $0x1  }
0x15a: {  	v3 =	vadd.s32 v1, v3;
	_ =	sdelay $0x1  }
0x15b: {  	s14 =	simm.s32 $0xD200  }
0x15c: {  	[tilespmem:s14], [sflag:$0x2] =	stream.indirect_vreg.gather [hbm4b:s3+s2], $0x80, v4, vm0, $0xb8;
	[tilespmem:$0x10200] =	vst v63  }
0x15d: {  	s7 =	simm.s32 $0xDA00  }
0x15e: {  	[tilespmem:s7], [sflag:$0x2] =	stream.indirect_vreg.gather [hbm4b:s3+s2], $0x80, v3, vm0, $0xb8;
	[tilespmem:$0x10200] =	vst v63  }
0x15f: {  	v3 =	vld [tilespmem:$0x1E0];
	_ =	sdelay $0x4  }
0x160: {  	v62 =	vshll.u32 v3, $0x1  }
0x161: {  	v3 =	vand.u32 $0x7, v3;
	v4 =	vand.u32 $0xFFFFFFF0, v62  }
0x162: {  	v3 =	vor.u32 v3, v4  }
0x163: {  	v4 =	vperm.xlane v3, v0;
	_ =	sdelay $0x1  }
0x164: {  	v3 =	vperm.xlane v3, v2;
	v4 =	vadd.s32 v1, v4;
	_ =	sdelay $0x1  }
0x165: {  	v3 =	vadd.s32 v1, v3;
	_ =	sdelay $0x1  }
0x166: {  	s14 =	simm.s32 $0xE200  }
0x167: {  	[tilespmem:s14], [sflag:$0x2] =	stream.indirect_vreg.gather [hbm4b:s3+s2], $0x80, v4, vm0, $0xb8;
	[tilespmem:$0x10200] =	vst v63  }
0x168: {  	s7 =	simm.s32 $0xEA00  }
0x169: {  	[tilespmem:s7], [sflag:$0x2] =	stream.indirect_vreg.gather [hbm4b:s3+s2], $0x80, v3, vm0, $0xb8;
	[tilespmem:$0x10200] =	vst v63  }
0x16a: {  	v3 =	vld [tilespmem:$0x1F0];
	_ =	sdelay $0x4  }
0x16b: {  	v63 =	vshll.u32 v3, $0x1  }
0x16c: {  	v3 =	vand.u32 $0x7, v3;
	v4 =	vand.u32 $0xFFFFFFF0, v63  }
0x16d: {  	v3 =	vor.u32 v3, v4  }
0x16e: {  	v4 =	vperm.xlane v3, v0;
	_ =	sdelay $0x1  }
0x16f: {  	v3 =	vperm.xlane v3, v2;
	v4 =	vadd.s32 v1, v4;
	_ =	sdelay $0x1  }
0x170: {  	v3 =	vadd.s32 v1, v3;
	_ =	sdelay $0x1  }
0x171: {  	s14 =	simm.s32 $0xF200  }
0x172: {  	[tilespmem:s14], [sflag:$0x2] =	stream.indirect_vreg.gather [hbm4b:s3+s2], $0x80, v4, vm0, $0xb8;
	[tilespmem:$0x10200] =	vst v63  }
0x173: {  	s7 =	simm.s32 $0xFA00  }
0x174: {  	[tilespmem:s7], [sflag:$0x2] =	stream.indirect_vreg.gather [hbm4b:s3+s2], $0x80, v3, vm0, $0xb8;
	[tilespmem:$0x10200] =	vst v63  }
0x175: {  	s13 =	simm.s32 $0x200;
	s14 =	rddreg [dreg:$0x6]  }
0x176: {  	[hbm4b:s14+s2] =	stream.linear.scatter [tilespmem:s13], [sflag:$0x3], $0x8000, $0x38;
	[tilespmem:$0x10200] =	vst v63  }
0x177: {  	_ =	swait.ge [sflag:s5], $0x8000  }
0x178: {  	[sflag:s5] =	ssyncset.done $0x0  }
0x179: {  	[sflag:s5] =	ssyncadd.s32 $0xFFFF8000  }
0x17a: {  	_ =	swait.ge [sflag:s6], $0x8000  }
0x17b: {  	p0 =	sne.s32 s4, $0x1;
	[sflag:s6] =	ssyncset.done $0x0  }
.Ltmp0:
0x17c: {  	s13 =	rddreg [dreg:$0x7];
	[sflag:s6] =	ssyncadd.s32 $0xFFFF8000;
	(pc) =	sbr.rel @p0 .LBB2_1-.Ltmp0, $4  }
0x17d: {  	[hbm4b:s13+s2] =	stream.linear.scatter [tilespmem:s22], [sflag:$0x3], $0x8000, $0x38;
	[tilespmem:$0x10200] =	vst v63  }
0x17e: {  	_ =	swait.ge [sflag:s5], $0x8000  }
0x17f: {  	[sflag:s5] =	ssyncset.done $0x0  }
0x180: {  	s4 =	sadd.s32 $0xFFFFFFFF, s4;
	[sflag:s5] =	ssyncadd.s32 $0xFFFF8000  }
0x181: {  	_ =	sfence.sel $0x180000  }
0x182: {  	[bflag:$0x0] =	sbarrier.arrive $0xFFFF  }
0x183: {  	_ =	strace $0x90000047  }
0x184: {  	s0 =	stileid.u32;
	[bflag:$0x2] =	sbarrier.arrive $0xFFFF  }
0x185: {  	p0 =	sne.s32 s0, $0x0;
	s0 =	rddreg [dreg:$0x2]  }
0x186: {  	s0 =	sadd.s32 @!p0 $0x100000, s0  }
0x187: {  	[sflag:s0] =	ssyncadd.tile.s32 @!p0 $0x1;
	_ =	shalt  }
.Lfunc_end2:
_tile_overlayer_lowered:
.L_overlay_start_2:
0x188: {  	(tag) =	ssettag $0x2  }
0x189: {  	s0 =	rddreg [dreg:$0x0];
	s2 =	stileid.u32  }
0x18a: {  	s1 =	rddreg [dreg:$0x1];
	p0 =	sne.s32 s2, $0x0  }
0x18b: {  	s3 =	rddreg [dreg:$0x2];
	[bflag:$0x3] =	sbarrier.arrive $0xFFFF;
	s2 =	simm.s32 @!p0 $0x1C03  }
0x18c: {  	[timem:s3], [sflag:s2] =	dma.local @!p0 [hbm:s0], s1  }
0x18d: {  	s0 =	simm.s32 @!p0 $0x3  }
0x18e: {  	_ =	swait.ge @!p0 [sflag:s0], s1  }
0x18f: {  	s1 =	ssub.s32 @!p0 $0x0, s1;
	[sflag:s0] =	ssyncset.done @!p0 $0x0  }
0x190: {  	[sflag:s0] =	ssyncadd.s32 @!p0 s1  }
0x191: {  	[bflag:$0x3] =	sbarrier.arrive $0xFFFF  }
0x192: {  	_ =	shalt  }

</sc_bundles>
